<compile_context>
chip_gen: v7x
topology: tpu7x:2x2x1
jax: 0.10.2.dev20260603
libtpu: 0.0.44.dev20260713+nightly
codegen_flags: <defaults>
</compile_context>

<pallas_src>
import functools

import jax
import jax.numpy as jnp
from jax import lax
from jax.experimental import pallas as pl
from jax.experimental.pallas import tpu as pltpu
from jax.experimental.pallas import tpu_sc as plsc

N = 10000
E = 320000
D = 128
DE = 16
EPS = 1e-5

NC = 2
NS = 16
NW = NC * NS
EPT = E // NW
K = 80
NCHUNK = EPT // K

HALF = N // NC
HPAD = HALF + 8
SLAB = 312
SLAB_LAST = 320

NB = 2000
NBF = 1000
EB = 3200



def _prep_body(x_ref, wa_ref, ba_ref, wsx_ref, bsx_ref, a_ref, s_ref):
    x = x_ref[...]
    a_ref[...] = jnp.dot(x, wa_ref[...], preferred_element_type=jnp.float32) + ba_ref[...]
    s_ref[...] = jnp.dot(x, wsx_ref[...], preferred_element_type=jnp.float32) + bsx_ref[...]


def _prep(x, wa, ba, wsx, bsx):
    grid = (N // NB,)
    return pl.pallas_call(
        _prep_body,
        grid=grid,
        in_specs=[
            pl.BlockSpec((NB, D), lambda i: (i, 0)),
            pl.BlockSpec((D, D), lambda i: (0, 0)),
            pl.BlockSpec((1, D), lambda i: (0, 0)),
            pl.BlockSpec((D, 2 * D), lambda i: (0, 0)),
            pl.BlockSpec((1, 2 * D), lambda i: (0, 0)),
        ],
        out_specs=[
            pl.BlockSpec((NB, D), lambda i: (i, 0)),
            pl.BlockSpec((NB, 2 * D), lambda i: (i, 0)),
        ],
        out_shape=[
            jax.ShapeDtypeStruct((N, D), jnp.float32),
            jax.ShapeDtypeStruct((N, 2 * D), jnp.float32),
        ],
    )(x, wa, ba, wsx, bsx)



def _sc_gather_body(a_hbm, s_hbm, src_hbm, dst_hbm, adst_hbm, ssrc_hbm,
                    sidx, didx, arows, srows, sem):
    cid = lax.axis_index("c")
    sid = lax.axis_index("s")
    wid = sid * NC + cid
    base = wid * EPT
    pltpu.sync_copy(src_hbm.at[pl.ds(base, EPT)], sidx)
    pltpu.sync_copy(dst_hbm.at[pl.ds(base, EPT)], didx)

    @pl.loop(0, EPT, step=K)
    def _chunk(off):
        pltpu.async_copy(s_hbm.at[sidx.at[pl.ds(off, K)]], srows, sem).wait()
        pltpu.async_copy(a_hbm.at[didx.at[pl.ds(off, K)]], arows, sem).wait()
        pltpu.sync_copy(srows, ssrc_hbm.at[pl.ds(base + off, K)])
        pltpu.sync_copy(arows, adst_hbm.at[pl.ds(base + off, K)])


def _sc_gather(a, s, src, dst):
    mesh = plsc.VectorSubcoreMesh(core_axis_name="c", subcore_axis_name="s")
    return pl.kernel(
        _sc_gather_body,
        out_type=[
            jax.ShapeDtypeStruct((E, D), jnp.float32),
            jax.ShapeDtypeStruct((E, 2 * D), jnp.float32),
        ],
        mesh=mesh,
        scratch_types=[
            pltpu.VMEM((EPT,), jnp.int32),
            pltpu.VMEM((EPT,), jnp.int32),
            pltpu.VMEM((K, D), jnp.float32),
            pltpu.VMEM((K, 2 * D), jnp.float32),
            pltpu.SemaphoreType.DMA,
        ],
    )(a, s, src, dst)



def _edge_body(adst_ref, ssrc_ref, ef_ref, ewn_ref, wge_ref, bns_ref, bnb_ref,
               wg2_ref, b2_ref, msg_ref):
    adst = adst_ref[...]
    ssrc = ssrc_ref[...]
    ef = ef_ref[...]
    h1 = adst + ssrc[:, :D] + jnp.dot(ef, wge_ref[...], preferred_element_type=jnp.float32)
    h1 = h1 * bns_ref[...] + bnb_ref[...]
    h1 = 0.5 * h1 * (1.0 + lax.erf(h1 * 0.7071067811865476))
    logit = jnp.dot(h1, wg2_ref[...], preferred_element_type=jnp.float32) + b2_ref[...]
    gate = 1.0 / (1.0 + jnp.exp(-logit[:, 0]))
    coef = ewn_ref[0, 0, :] * gate
    msg_ref[...] = ssrc[:, D:] * coef[:, None]


def _edge(adst, ssrc, ef, ewn3, wge, bns, bnb, wg2, b2):
    grid = (E // EB,)
    return pl.pallas_call(
        _edge_body,
        grid=grid,
        in_specs=[
            pl.BlockSpec((EB, D), lambda i: (i, 0)),
            pl.BlockSpec((EB, 2 * D), lambda i: (i, 0)),
            pl.BlockSpec((EB, DE), lambda i: (i, 0)),
            pl.BlockSpec((1, 1, EB), lambda i: (i, 0, 0)),
            pl.BlockSpec((DE, D), lambda i: (0, 0)),
            pl.BlockSpec((1, D), lambda i: (0, 0)),
            pl.BlockSpec((1, D), lambda i: (0, 0)),
            pl.BlockSpec((D, 1), lambda i: (0, 0)),
            pl.BlockSpec((1, 1), lambda i: (0, 0)),
        ],
        out_specs=pl.BlockSpec((EB, D), lambda i: (i, 0)),
        out_shape=jax.ShapeDtypeStruct((E, D), jnp.float32),
    )(adst, ssrc, ef, ewn3, wge, bns, bnb, wg2, b2)



def _sc_scatter_body(msg_hbm, dst_hbm, aggp_hbm, agg_sh, zbuf, rows, didx, sem):
    cid = lax.axis_index("c")
    sid = lax.axis_index("s")

    zero = jnp.zeros((16,), jnp.float32)

    @pl.loop(0, SLAB_LAST)
    def _zr(r):
        for j in range(D // 16):
            zbuf[r, pl.ds(j * 16, 16)] = zero

    r0 = sid * SLAB

    @pl.when(sid < NS - 1)
    def _z0():
        pltpu.sync_copy(zbuf.at[pl.ds(0, SLAB)], agg_sh.at[pl.ds(r0, SLAB)])

    @pl.when(sid == NS - 1)
    def _z1():
        pltpu.sync_copy(zbuf, agg_sh.at[pl.ds(r0, SLAB_LAST)])
        pltpu.sync_copy(zbuf.at[pl.ds(0, 8)], agg_sh.at[pl.ds(HALF, 8)])

    plsc.subcore_barrier()

    ept2 = E // NS
    base = sid * ept2
    nbase = cid * HALF

    @pl.loop(0, ept2, step=K)
    def _chunk(off):
        pltpu.sync_copy(msg_hbm.at[pl.ds(base + off, K)], rows)
        pltpu.sync_copy(dst_hbm.at[pl.ds(base + off, K)], didx)
        for j in range(K // 16):
            v = didx[pl.ds(j * 16, 16)] - nbase
            ok = (v >= 0) & (v < HALF)
            didx[pl.ds(j * 16, 16)] = jnp.where(ok, v, HALF)
        pltpu.sync_copy(rows, agg_sh.at[didx], add=True)

    plsc.subcore_barrier()

    @pl.when(sid < NS - 1)
    def _o0():
        pltpu.sync_copy(agg_sh.at[pl.ds(r0, SLAB)],
                        aggp_hbm.at[cid, pl.ds(r0, SLAB)])

    @pl.when(sid == NS - 1)
    def _o1():
        pltpu.sync_copy(agg_sh.at[pl.ds(r0, SLAB_LAST)],
                        aggp_hbm.at[cid, pl.ds(r0, SLAB_LAST)])


def _sc_scatter(msg, dst):
    mesh = plsc.VectorSubcoreMesh(core_axis_name="c", subcore_axis_name="s")
    return pl.kernel(
        _sc_scatter_body,
        out_type=jax.ShapeDtypeStruct((NC, HALF, D), jnp.float32),
        mesh=mesh,
        scratch_types=[
            pltpu.VMEM_SHARED((HPAD, D), jnp.float32),
            pltpu.VMEM((SLAB_LAST, D), jnp.float32),
            pltpu.VMEM((K, D), jnp.float32),
            pltpu.VMEM((K,), jnp.int32),
            pltpu.SemaphoreType.DMA,
        ],
    )(msg, dst)



def _final_body(x_ref, aggp_ref, wux_ref, wua_ref, bu_ref, lng_ref, lnb_ref, o_ref):
    x = x_ref[...]
    agg = aggp_ref[0]
    h = (jnp.dot(x, wux_ref[...], preferred_element_type=jnp.float32)
         + jnp.dot(agg, wua_ref[...], preferred_element_type=jnp.float32)
         + bu_ref[...])
    h = 0.5 * h * (1.0 + lax.erf(h * 0.7071067811865476))
    r = x + h
    mu = jnp.mean(r, axis=-1, keepdims=True)
    var = jnp.mean((r - mu) ** 2, axis=-1, keepdims=True)
    o_ref[...] = (r - mu) / jnp.sqrt(var + EPS) * lng_ref[...] + lnb_ref[...]


def _final(x, aggp, wux, wua, bu, lng, lnb):
    grid = (N // NBF,)
    return pl.pallas_call(
        _final_body,
        grid=grid,
        in_specs=[
            pl.BlockSpec((NBF, D), lambda i: (i, 0)),
            pl.BlockSpec((1, NBF, D), lambda i: (i // 5, i % 5, 0)),
            pl.BlockSpec((D, D), lambda i: (0, 0)),
            pl.BlockSpec((D, D), lambda i: (0, 0)),
            pl.BlockSpec((1, D), lambda i: (0, 0)),
            pl.BlockSpec((1, D), lambda i: (0, 0)),
            pl.BlockSpec((1, D), lambda i: (0, 0)),
        ],
        out_specs=pl.BlockSpec((NBF, D), lambda i: (i, 0)),
        out_shape=jax.ShapeDtypeStruct((N, D), jnp.float32),
    )(x, aggp, wux, wua, bu, lng, lnb)



def kernel(x, edge_index, edge_weight_norm, edge_feat, batch, W_phi, b_phi,
           W_g1, b_g1, bn_gamma, bn_beta, W_g2, b_g2, W_u, b_u, ln_gamma, ln_beta):
    src = edge_index[0]
    dst = edge_index[1]

    wa = W_g1[:D]
    wsx = jnp.concatenate([W_g1[D:2 * D], W_phi], axis=1)
    ba = b_g1.reshape(1, D)
    bsx = jnp.concatenate([jnp.zeros((D,), jnp.float32), b_phi]).reshape(1, 2 * D)

    a_tab, s_tab = _prep(x, wa, ba, wsx, bsx)
    adst, ssrc = _sc_gather(a_tab, s_tab, src, dst)

    bns = (bn_gamma / jnp.sqrt(1.0 + EPS)).reshape(1, D)
    bnb = bn_beta.reshape(1, D)
    ewn3 = edge_weight_norm.reshape(E // EB, 1, EB)
    msg = _edge(adst, ssrc, edge_feat, ewn3, W_g1[2 * D:], bns, bnb,
                W_g2, b_g2.reshape(1, 1))

    aggp = _sc_scatter(msg, dst)

    return _final(x, aggp, W_u[:D], W_u[D:], b_u.reshape(1, D),
                  ln_gamma.reshape(1, D), ln_beta.reshape(1, D))

# --- scband reference (transcript-rebuilt; emitter-appended) ---
"""Pipeline reference for scband-edge-gated-mpnnlayer-38371237822903 (READ-ONLY COPY).

The authoritative reference and input builder live on the scoring server;
editing this copy changes nothing except your own understanding.
"""

import jax, jax.numpy as jnp
import numpy as np

N = 10000
E = 320000
D = 128
DE = 16
EPS = 1e-5

def setup_inputs(seed: int = 0) -> dict:
    key = jax.random.key(seed)
    k = lambda i: jax.random.fold_in(key, i)
    inp = {}
    inp["x"] = jax.random.normal(k(0), (N, D), dtype=jnp.float32)
    inp["edge_index"] = jax.random.randint(k(1), (2, E), 0, N, dtype=jnp.int32)
    inp["edge_weight_norm"] = jax.random.uniform(k(2), (E,), dtype=jnp.float32)
    inp["edge_feat"] = jax.random.normal(k(3), (E, DE), dtype=jnp.float32)
    inp["batch"] = jnp.sort(jax.random.randint(k(4), (N,), 0, 16, dtype=jnp.int32))
    # learned parameters
    inp["W_phi"] = jax.random.normal(k(5), (D, D), dtype=jnp.float32) * 0.05
    inp["b_phi"] = jnp.zeros((D,), dtype=jnp.float32)
    inp["W_g1"] = jax.random.normal(k(6), (2 * D + DE, D), dtype=jnp.float32) * 0.05
    inp["b_g1"] = jnp.zeros((D,), dtype=jnp.float32)
    inp["bn_gamma"] = jnp.ones((D,), dtype=jnp.float32)
    inp["bn_beta"] = jnp.zeros((D,), dtype=jnp.float32)
    inp["W_g2"] = jax.random.normal(k(7), (D, 1), dtype=jnp.float32) * 0.05
    inp["b_g2"] = jnp.zeros((1,), dtype=jnp.float32)
    inp["W_u"] = jax.random.normal(k(8), (2 * D, D), dtype=jnp.float32) * 0.05
    inp["b_u"] = jnp.zeros((D,), dtype=jnp.float32)
    inp["ln_gamma"] = jnp.ones((D,), dtype=jnp.float32)
    inp["ln_beta"] = jnp.zeros((D,), dtype=jnp.float32)
    return inp

def _layer_norm(h, gamma, beta):
    mu = jnp.mean(h, axis=-1, keepdims=True)
    var = jnp.var(h, axis=-1, keepdims=True)
    return (h - mu) / jnp.sqrt(var + EPS) * gamma + beta

def reference(x, edge_index, edge_weight_norm, edge_feat, batch, W_phi, b_phi, W_g1, b_g1, bn_gamma, bn_beta, W_g2, b_g2, W_u, b_u, ln_gamma, ln_beta):
    src = edge_index[0]
    dst = edge_index[1]
    # xj = phi(x)
    xj = x @ W_phi + b_phi
    # gate MLP: Linear -> BatchNorm1d (eval: running_mean=0, running_var=1) -> GELU -> Linear
    g_in = jnp.concatenate([jnp.take(x, dst, axis=0), jnp.take(x, src, axis=0), edge_feat], axis=-1)
    h1 = g_in @ W_g1 + b_g1
    h1 = (h1 / jnp.sqrt(1.0 + EPS)) * bn_gamma + bn_beta
    h1 = jax.nn.gelu(h1, approximate=False)
    gate = jax.nn.sigmoid((h1 @ W_g2 + b_g2).reshape(-1))
    # messages and scatter-add aggregation
    msg = jnp.take(xj, src, axis=0) * (edge_weight_norm * gate)[:, None]
    agg = jax.ops.segment_sum(msg, dst, num_segments=x.shape[0])
    # update MLP (single Linear) + GELU + residual + LayerNorm (dropout=0.0)
    h = jnp.concatenate([x, agg], axis=-1) @ W_u + b_u
    h = jax.nn.gelu(h, approximate=False)
    return _layer_norm(x + h, ln_gamma, ln_beta)

if __name__ == "__main__":
    import jax
    _d = setup_inputs()
    print(jax.jit(kernel)(*tuple(_d.values())))

</pallas_src>

<mosaic_0001>
#map = affine_map<(d0, d1) -> (0, 0)>
#map1 = affine_map<(d0, d1) -> (0)>
module attributes {stable_mosaic.version = 14 : i64} {
  func.func @_sc_gather_body(%arg0: i32, %arg1: i32, %arg2: memref<10000x128xf32, #tpu.memory_space<hbm>>, %arg3: memref<10000x256xf32, #tpu.memory_space<hbm>>, %arg4: memref<320000xi32, #tpu.memory_space<hbm>>, %arg5: memref<320000xi32, #tpu.memory_space<hbm>>, %arg6: memref<320000x128xf32, #tpu.memory_space<hbm>>, %arg7: memref<320000x256xf32, #tpu.memory_space<hbm>>, %arg8: memref<10000xi32, #tpu.memory_space<vmem>>, %arg9: memref<10000xi32, #tpu.memory_space<vmem>>, %arg10: memref<80x128xf32, #tpu.memory_space<vmem>>, %arg11: memref<80x256xf32, #tpu.memory_space<vmem>>, %arg12: memref<!tpu.dma_semaphore, #tpu.memory_space<semaphore_mem>>) attributes {dimension_semantics = [#tpu.dimension_semantics<core_parallel>, #tpu.dimension_semantics<subcore_parallel>], iteration_bounds = array<i64: 2, 16>, scalar_prefetch = 0 : i64, scratch_operands = 5 : i64, tpu.core_type = #tpu.core_type<sc_vector_subcore>, window_params = [{transform_indices = #map}, {transform_indices = #map}, {transform_indices = #map1}, {transform_indices = #map1}, {transform_indices = #map}, {transform_indices = #map}]} {
    %mul3A = arith.constant 2 : i32
    %mul3A_0 = arith.muli %arg1, %mul3A : i32
    %add3A = arith.addi %mul3A_0, %arg0 : i32
    %mul3A_1 = arith.constant 10000 : i32
    %mul3A_2 = arith.muli %add3A, %mul3A_1 : i32
    "tpu.region"() ({
      %run_scoped3A = tpu.sem_alloc : memref<!tpu.dma_semaphore, #tpu.memory_space<semaphore_mem>>
      %dma_start3A = tpu.memref_slice %arg4[%mul3A_2] : memref<320000xi32, #tpu.memory_space<hbm>> -> memref<10000xi32, #tpu.memory_space<hbm>>
      %dma_start3A_7 = tpu.memref_slice %arg4[%mul3A_2] : memref<320000xi32, #tpu.memory_space<hbm>> -> memref<10000xi32, #tpu.memory_space<hbm>>
      tpu.enqueue_dma source(%dma_start3A_7 : memref<10000xi32, #tpu.memory_space<hbm>>) target(%arg8 : memref<10000xi32, #tpu.memory_space<vmem>>) target_semaphore(%run_scoped3A : memref<!tpu.dma_semaphore, #tpu.memory_space<semaphore_mem>>)
      %dma_wait3A = tpu.memref_slice %arg4[%mul3A_2] : memref<320000xi32, #tpu.memory_space<hbm>> -> memref<10000xi32, #tpu.memory_space<hbm>>
      %dma_wait3A_8 = tpu.memref_slice %arg4[%mul3A_2] : memref<320000xi32, #tpu.memory_space<hbm>> -> memref<10000xi32, #tpu.memory_space<hbm>>
      tpu.wait_dma2 semaphore(%run_scoped3A : memref<!tpu.dma_semaphore, #tpu.memory_space<semaphore_mem>>) src(%dma_wait3A_8 : memref<10000xi32, #tpu.memory_space<hbm>>) dst(%arg8 : memref<10000xi32, #tpu.memory_space<vmem>>)
      tpu.yield
    }) : () -> ()
    "tpu.region"() ({
      %run_scoped3A = tpu.sem_alloc : memref<!tpu.dma_semaphore, #tpu.memory_space<semaphore_mem>>
      %dma_start3A = tpu.memref_slice %arg5[%mul3A_2] : memref<320000xi32, #tpu.memory_space<hbm>> -> memref<10000xi32, #tpu.memory_space<hbm>>
      %dma_start3A_7 = tpu.memref_slice %arg5[%mul3A_2] : memref<320000xi32, #tpu.memory_space<hbm>> -> memref<10000xi32, #tpu.memory_space<hbm>>
      tpu.enqueue_dma source(%dma_start3A_7 : memref<10000xi32, #tpu.memory_space<hbm>>) target(%arg9 : memref<10000xi32, #tpu.memory_space<vmem>>) target_semaphore(%run_scoped3A : memref<!tpu.dma_semaphore, #tpu.memory_space<semaphore_mem>>)
      %dma_wait3A = tpu.memref_slice %arg5[%mul3A_2] : memref<320000xi32, #tpu.memory_space<hbm>> -> memref<10000xi32, #tpu.memory_space<hbm>>
      %dma_wait3A_8 = tpu.memref_slice %arg5[%mul3A_2] : memref<320000xi32, #tpu.memory_space<hbm>> -> memref<10000xi32, #tpu.memory_space<hbm>>
      tpu.wait_dma2 semaphore(%run_scoped3A : memref<!tpu.dma_semaphore, #tpu.memory_space<semaphore_mem>>) src(%dma_wait3A_8 : memref<10000xi32, #tpu.memory_space<hbm>>) dst(%arg9 : memref<10000xi32, #tpu.memory_space<vmem>>)
      tpu.yield
    }) : () -> ()
    %scan3A = arith.constant 0 : i32
    %scan3A_3 = arith.constant 125 : i32
    %scan3A_4 = arith.addi %scan3A, %scan3A_3 : i32
    %scan3A_5 = arith.constant 1 : i32
    scf.for %scan3A_7 = %scan3A to %scan3A_4 step %scan3A_5  : i32 {
      %mul3A_8 = arith.constant 80 : i32
      %mul3A_9 = arith.muli %scan3A_7, %mul3A_8 : i32
      %add3A_10 = arith.constant 0 : i32
      %add3A_11 = arith.addi %add3A_10, %mul3A_9 : i32
      %dma_start3A = tpu.memref_slice %arg8[%add3A_11] : memref<10000xi32, #tpu.memory_space<vmem>> -> memref<80xi32, #tpu.memory_space<vmem>>
      %dma_start3A_12 = arith.constant 0 : i32
      %dma_start3A_13 = arith.constant 0 : i32
      %dma_start3A_14 = tpu.memref_slice %arg3[%dma_start3A_12, %dma_start3A_13] : memref<10000x256xf32, #tpu.memory_space<hbm>> -> memref<10000x256xf32, #tpu.memory_space<hbm>>
      tpu.enqueue_indirect_dma source(%dma_start3A_14 : memref<10000x256xf32, #tpu.memory_space<hbm>>) target(%arg11 : memref<80x256xf32, #tpu.memory_space<vmem>>) offsets(%dma_start3A : memref<80xi32, #tpu.memory_space<vmem>>) semaphore(%arg12 : memref<!tpu.dma_semaphore, #tpu.memory_space<semaphore_mem>>)
      %dma_wait3A = tpu.memref_slice %arg8[%add3A_11] : memref<10000xi32, #tpu.memory_space<vmem>> -> memref<80xi32, #tpu.memory_space<vmem>>
      %dma_wait3A_15 = arith.constant 0 : i32
      %dma_wait3A_16 = arith.constant 0 : i32
      %dma_wait3A_17 = tpu.memref_slice %arg3[%dma_wait3A_15, %dma_wait3A_16] : memref<10000x256xf32, #tpu.memory_space<hbm>> -> memref<10000x256xf32, #tpu.memory_space<hbm>>
      tpu.wait_indirect_dma semaphore(%arg12 : memref<!tpu.dma_semaphore, #tpu.memory_space<semaphore_mem>>) src(%dma_wait3A_17 : memref<10000x256xf32, #tpu.memory_space<hbm>>) dst(%arg11 : memref<80x256xf32, #tpu.memory_space<vmem>>)
      %dma_start3A_18 = tpu.memref_slice %arg9[%add3A_11] : memref<10000xi32, #tpu.memory_space<vmem>> -> memref<80xi32, #tpu.memory_space<vmem>>
      %dma_start3A_19 = arith.constant 0 : i32
      %dma_start3A_20 = arith.constant 0 : i32
      %dma_start3A_21 = tpu.memref_slice %arg2[%dma_start3A_19, %dma_start3A_20] : memref<10000x128xf32, #tpu.memory_space<hbm>> -> memref<10000x128xf32, #tpu.memory_space<hbm>>
      tpu.enqueue_indirect_dma source(%dma_start3A_21 : memref<10000x128xf32, #tpu.memory_space<hbm>>) target(%arg10 : memref<80x128xf32, #tpu.memory_space<vmem>>) offsets(%dma_start3A_18 : memref<80xi32, #tpu.memory_space<vmem>>) semaphore(%arg12 : memref<!tpu.dma_semaphore, #tpu.memory_space<semaphore_mem>>)
      %dma_wait3A_22 = tpu.memref_slice %arg9[%add3A_11] : memref<10000xi32, #tpu.memory_space<vmem>> -> memref<80xi32, #tpu.memory_space<vmem>>
      %dma_wait3A_23 = arith.constant 0 : i32
      %dma_wait3A_24 = arith.constant 0 : i32
      %dma_wait3A_25 = tpu.memref_slice %arg2[%dma_wait3A_23, %dma_wait3A_24] : memref<10000x128xf32, #tpu.memory_space<hbm>> -> memref<10000x128xf32, #tpu.memory_space<hbm>>
      tpu.wait_indirect_dma semaphore(%arg12 : memref<!tpu.dma_semaphore, #tpu.memory_space<semaphore_mem>>) src(%dma_wait3A_25 : memref<10000x128xf32, #tpu.memory_space<hbm>>) dst(%arg10 : memref<80x128xf32, #tpu.memory_space<vmem>>)
      %add3A_26 = arith.addi %mul3A_2, %add3A_11 : i32
      "tpu.region"() ({
        %run_scoped3A = tpu.sem_alloc : memref<!tpu.dma_semaphore, #tpu.memory_space<semaphore_mem>>
        %dma_start3A_28 = arith.constant 0 : i32
        %dma_start3A_29 = tpu.memref_slice %arg7[%add3A_26, %dma_start3A_28] : memref<320000x256xf32, #tpu.memory_space<hbm>> -> memref<80x256xf32, #tpu.memory_space<hbm>>
        %dma_start3A_30 = arith.constant 0 : i32
        %dma_start3A_31 = tpu.memref_slice %arg7[%add3A_26, %dma_start3A_30] : memref<320000x256xf32, #tpu.memory_space<hbm>> -> memref<80x256xf32, #tpu.memory_space<hbm>>
        tpu.enqueue_dma source(%arg11 : memref<80x256xf32, #tpu.memory_space<vmem>>) target(%dma_start3A_31 : memref<80x256xf32, #tpu.memory_space<hbm>>) target_semaphore(%run_scoped3A : memref<!tpu.dma_semaphore, #tpu.memory_space<semaphore_mem>>)
        %dma_wait3A_32 = arith.constant 0 : i32
        %dma_wait3A_33 = tpu.memref_slice %arg7[%add3A_26, %dma_wait3A_32] : memref<320000x256xf32, #tpu.memory_space<hbm>> -> memref<80x256xf32, #tpu.memory_space<hbm>>
        %dma_wait3A_34 = arith.constant 0 : i32
        %dma_wait3A_35 = tpu.memref_slice %arg7[%add3A_26, %dma_wait3A_34] : memref<320000x256xf32, #tpu.memory_space<hbm>> -> memref<80x256xf32, #tpu.memory_space<hbm>>
        tpu.wait_dma2 semaphore(%run_scoped3A : memref<!tpu.dma_semaphore, #tpu.memory_space<semaphore_mem>>) src(%arg11 : memref<80x256xf32, #tpu.memory_space<vmem>>) dst(%dma_wait3A_35 : memref<80x256xf32, #tpu.memory_space<hbm>>)
        tpu.yield
      }) : () -> ()
      %add3A_27 = arith.addi %mul3A_2, %add3A_11 : i32
      "tpu.region"() ({
        %run_scoped3A = tpu.sem_alloc : memref<!tpu.dma_semaphore, #tpu.memory_space<semaphore_mem>>
        %dma_start3A_28 = arith.constant 0 : i32
        %dma_start3A_29 = tpu.memref_slice %arg6[%add3A_27, %dma_start3A_28] : memref<320000x128xf32, #tpu.memory_space<hbm>> -> memref<80x128xf32, #tpu.memory_space<hbm>>
        %dma_start3A_30 = arith.constant 0 : i32
        %dma_start3A_31 = tpu.memref_slice %arg6[%add3A_27, %dma_start3A_30] : memref<320000x128xf32, #tpu.memory_space<hbm>> -> memref<80x128xf32, #tpu.memory_space<hbm>>
        tpu.enqueue_dma source(%arg10 : memref<80x128xf32, #tpu.memory_space<vmem>>) target(%dma_start3A_31 : memref<80x128xf32, #tpu.memory_space<hbm>>) target_semaphore(%run_scoped3A : memref<!tpu.dma_semaphore, #tpu.memory_space<semaphore_mem>>)
        %dma_wait3A_32 = arith.constant 0 : i32
        %dma_wait3A_33 = tpu.memref_slice %arg6[%add3A_27, %dma_wait3A_32] : memref<320000x128xf32, #tpu.memory_space<hbm>> -> memref<80x128xf32, #tpu.memory_space<hbm>>
        %dma_wait3A_34 = arith.constant 0 : i32
        %dma_wait3A_35 = tpu.memref_slice %arg6[%add3A_27, %dma_wait3A_34] : memref<320000x128xf32, #tpu.memory_space<hbm>> -> memref<80x128xf32, #tpu.memory_space<hbm>>
        tpu.wait_dma2 semaphore(%run_scoped3A : memref<!tpu.dma_semaphore, #tpu.memory_space<semaphore_mem>>) src(%arg10 : memref<80x128xf32, #tpu.memory_space<vmem>>) dst(%dma_wait3A_35 : memref<80x128xf32, #tpu.memory_space<hbm>>)
        tpu.yield
      }) : () -> ()
    }
    %scan3A_6 = arith.constant 125 : i32
    return
  }
}

#map = affine_map<(d0, d1) -> (0, 0)>
#map1 = affine_map<(d0, d1) -> (0)>
#map2 = affine_map<(d0, d1) -> (0, 0, 0)>
module attributes {stable_mosaic.version = 14 : i64} {
  func.func @_sc_scatter_body(%arg0: i32, %arg1: i32, %arg2: memref<320000x128xf32, #tpu.memory_space<hbm>>, %arg3: memref<320000xi32, #tpu.memory_space<hbm>>, %arg4: memref<2x5000x128xf32, #tpu.memory_space<hbm>>, %arg5: memref<5008x128xf32, #tpu.memory_space<vmem_shared>>, %arg6: memref<320x128xf32, #tpu.memory_space<vmem>>, %arg7: memref<80x128xf32, #tpu.memory_space<vmem>>, %arg8: memref<80xi32, #tpu.memory_space<vmem>>, %arg9: memref<!tpu.dma_semaphore, #tpu.memory_space<semaphore_mem>>) attributes {dimension_semantics = [#tpu.dimension_semantics<core_parallel>, #tpu.dimension_semantics<subcore_parallel>], iteration_bounds = array<i64: 2, 16>, scalar_prefetch = 0 : i64, scratch_operands = 5 : i64, tpu.core_type = #tpu.core_type<sc_vector_subcore>, window_params = [{transform_indices = #map}, {transform_indices = #map1}, {transform_indices = #map2}]} {
    %broadcast_in_dim3A = arith.constant 0.000000e+00 : f32
    %broadcast_in_dim3A_0 = vector.broadcast %broadcast_in_dim3A : f32 to vector<16xf32>
    %scan3A = arith.constant 0 : i32
    %scan3A_1 = arith.constant 320 : i32
    %scan3A_2 = arith.addi %scan3A, %scan3A_1 : i32
    %scan3A_3 = arith.constant 1 : i32
    scf.for %scan3A_32 = %scan3A to %scan3A_2 step %scan3A_3  : i32 {
      %mul3A_33 = arith.constant 1 : i32
      %mul3A_34 = arith.muli %scan3A_32, %mul3A_33 : i32
      %add3A = arith.constant 0 : i32
      %add3A_35 = arith.addi %add3A, %mul3A_34 : i32
      %swap3A = arith.index_cast %add3A_35 : i32 to index
      %swap3A_36 = arith.constant 0 : index
      %swap3A_37 = tpu.vector_load %arg6[%swap3A, %swap3A_36] {strides = array<i32>} : memref<320x128xf32, #tpu.memory_space<vmem>>, vector<1x16xf32>,
      %swap3A_38 = vector.shape_cast %swap3A_37 : vector<1x16xf32> to vector<16xf32>
      %swap3A_39 = vector.shape_cast %broadcast_in_dim3A_0 : vector<16xf32> to vector<1x16xf32>
      tpu.vector_store %arg6[%swap3A, %swap3A_36], %swap3A_39 {strides = array<i32>} : memref<320x128xf32, #tpu.memory_space<vmem>>, vector<1x16xf32>,
      %swap3A_40 = arith.index_cast %add3A_35 : i32 to index
      %swap3A_41 = arith.constant 16 : index
      %swap3A_42 = tpu.vector_load %arg6[%swap3A_40, %swap3A_41] {strides = array<i32>} : memref<320x128xf32, #tpu.memory_space<vmem>>, vector<1x16xf32>,
      %swap3A_43 = vector.shape_cast %swap3A_42 : vector<1x16xf32> to vector<16xf32>
      %swap3A_44 = vector.shape_cast %broadcast_in_dim3A_0 : vector<16xf32> to vector<1x16xf32>
      tpu.vector_store %arg6[%swap3A_40, %swap3A_41], %swap3A_44 {strides = array<i32>} : memref<320x128xf32, #tpu.memory_space<vmem>>, vector<1x16xf32>,
      %swap3A_45 = arith.index_cast %add3A_35 : i32 to index
      %swap3A_46 = arith.constant 32 : index
      %swap3A_47 = tpu.vector_load %arg6[%swap3A_45, %swap3A_46] {strides = array<i32>} : memref<320x128xf32, #tpu.memory_space<vmem>>, vector<1x16xf32>,
      %swap3A_48 = vector.shape_cast %swap3A_47 : vector<1x16xf32> to vector<16xf32>
      %swap3A_49 = vector.shape_cast %broadcast_in_dim3A_0 : vector<16xf32> to vector<1x16xf32>
      tpu.vector_store %arg6[%swap3A_45, %swap3A_46], %swap3A_49 {strides = array<i32>} : memref<320x128xf32, #tpu.memory_space<vmem>>, vector<1x16xf32>,
      %swap3A_50 = arith.index_cast %add3A_35 : i32 to index
      %swap3A_51 = arith.constant 48 : index
      %swap3A_52 = tpu.vector_load %arg6[%swap3A_50, %swap3A_51] {strides = array<i32>} : memref<320x128xf32, #tpu.memory_space<vmem>>, vector<1x16xf32>,
      %swap3A_53 = vector.shape_cast %swap3A_52 : vector<1x16xf32> to vector<16xf32>
      %swap3A_54 = vector.shape_cast %broadcast_in_dim3A_0 : vector<16xf32> to vector<1x16xf32>
      tpu.vector_store %arg6[%swap3A_50, %swap3A_51], %swap3A_54 {strides = array<i32>} : memref<320x128xf32, #tpu.memory_space<vmem>>, vector<1x16xf32>,
      %swap3A_55 = arith.index_cast %add3A_35 : i32 to index
      %swap3A_56 = arith.constant 64 : index
      %swap3A_57 = tpu.vector_load %arg6[%swap3A_55, %swap3A_56] {strides = array<i32>} : memref<320x128xf32, #tpu.memory_space<vmem>>, vector<1x16xf32>,
      %swap3A_58 = vector.shape_cast %swap3A_57 : vector<1x16xf32> to vector<16xf32>
      %swap3A_59 = vector.shape_cast %broadcast_in_dim3A_0 : vector<16xf32> to vector<1x16xf32>
      tpu.vector_store %arg6[%swap3A_55, %swap3A_56], %swap3A_59 {strides = array<i32>} : memref<320x128xf32, #tpu.memory_space<vmem>>, vector<1x16xf32>,
      %swap3A_60 = arith.index_cast %add3A_35 : i32 to index
      %swap3A_61 = arith.constant 80 : index
      %swap3A_62 = tpu.vector_load %arg6[%swap3A_60, %swap3A_61] {strides = array<i32>} : memref<320x128xf32, #tpu.memory_space<vmem>>, vector<1x16xf32>,
      %swap3A_63 = vector.shape_cast %swap3A_62 : vector<1x16xf32> to vector<16xf32>
      %swap3A_64 = vector.shape_cast %broadcast_in_dim3A_0 : vector<16xf32> to vector<1x16xf32>
      tpu.vector_store %arg6[%swap3A_60, %swap3A_61], %swap3A_64 {strides = array<i32>} : memref<320x128xf32, #tpu.memory_space<vmem>>, vector<1x16xf32>,
      %swap3A_65 = arith.index_cast %add3A_35 : i32 to index
      %swap3A_66 = arith.constant 96 : index
      %swap3A_67 = tpu.vector_load %arg6[%swap3A_65, %swap3A_66] {strides = array<i32>} : memref<320x128xf32, #tpu.memory_space<vmem>>, vector<1x16xf32>,
      %swap3A_68 = vector.shape_cast %swap3A_67 : vector<1x16xf32> to vector<16xf32>
      %swap3A_69 = vector.shape_cast %broadcast_in_dim3A_0 : vector<16xf32> to vector<1x16xf32>
      tpu.vector_store %arg6[%swap3A_65, %swap3A_66], %swap3A_69 {strides = array<i32>} : memref<320x128xf32, #tpu.memory_space<vmem>>, vector<1x16xf32>,
      %swap3A_70 = arith.index_cast %add3A_35 : i32 to index
      %swap3A_71 = arith.constant 112 : index
      %swap3A_72 = tpu.vector_load %arg6[%swap3A_70, %swap3A_71] {strides = array<i32>} : memref<320x128xf32, #tpu.memory_space<vmem>>, vector<1x16xf32>,
      %swap3A_73 = vector.shape_cast %swap3A_72 : vector<1x16xf32> to vector<16xf32>
      %swap3A_74 = vector.shape_cast %broadcast_in_dim3A_0 : vector<16xf32> to vector<1x16xf32>
      tpu.vector_store %arg6[%swap3A_70, %swap3A_71], %swap3A_74 {strides = array<i32>} : memref<320x128xf32, #tpu.memory_space<vmem>>, vector<1x16xf32>,
    }
    %scan3A_4 = arith.constant 320 : i32
    %mul3A = arith.constant 312 : i32
    %mul3A_5 = arith.muli %arg1, %mul3A : i32
    %lt3A = arith.constant 15 : i32
    %lt3A_6 = arith.cmpi slt, %arg1, %lt3A : i32
    %convert_element_type3A = arith.extui %lt3A_6 : i1 to i32
    %cond3A = arith.constant 0 : i32
    %cond3A_7 = arith.cmpi ne, %convert_element_type3A, %cond3A : i32
    scf.if %cond3A_7 {
      "tpu.region"() ({
        %run_scoped3A = tpu.sem_alloc : memref<!tpu.dma_semaphore, #tpu.memory_space<semaphore_mem>>
        %dma_start3A = arith.constant 0 : i32
        %dma_start3A_32 = arith.constant 0 : i32
        %dma_start3A_33 = tpu.memref_slice %arg6[%dma_start3A, %dma_start3A_32] : memref<320x128xf32, #tpu.memory_space<vmem>> -> memref<312x128xf32, #tpu.memory_space<vmem>>
        %dma_start3A_34 = arith.constant 0 : i32
        %dma_start3A_35 = tpu.memref_slice %arg5[%mul3A_5, %dma_start3A_34] : memref<5008x128xf32, #tpu.memory_space<vmem_shared>> -> memref<312x128xf32, #tpu.memory_space<vmem_shared>>
        %dma_start3A_36 = arith.constant 0 : i32
        %dma_start3A_37 = tpu.memref_slice %arg5[%mul3A_5, %dma_start3A_36] : memref<5008x128xf32, #tpu.memory_space<vmem_shared>> -> memref<312x128xf32, #tpu.memory_space<vmem_shared>>
        %dma_start3A_38 = arith.constant 0 : i32
        %dma_start3A_39 = arith.constant 0 : i32
        %dma_start3A_40 = tpu.memref_slice %arg6[%dma_start3A_38, %dma_start3A_39] : memref<320x128xf32, #tpu.memory_space<vmem>> -> memref<312x128xf32, #tpu.memory_space<vmem>>
        tpu.enqueue_dma source(%dma_start3A_40 : memref<312x128xf32, #tpu.memory_space<vmem>>) target(%dma_start3A_37 : memref<312x128xf32, #tpu.memory_space<vmem_shared>>) target_semaphore(%run_scoped3A : memref<!tpu.dma_semaphore, #tpu.memory_space<semaphore_mem>>)
        %dma_wait3A = arith.constant 0 : i32
        %dma_wait3A_41 = arith.constant 0 : i32
        %dma_wait3A_42 = tpu.memref_slice %arg6[%dma_wait3A, %dma_wait3A_41] : memref<320x128xf32, #tpu.memory_space<vmem>> -> memref<312x128xf32, #tpu.memory_space<vmem>>
        %dma_wait3A_43 = arith.constant 0 : i32
        %dma_wait3A_44 = tpu.memref_slice %arg5[%mul3A_5, %dma_wait3A_43] : memref<5008x128xf32, #tpu.memory_space<vmem_shared>> -> memref<312x128xf32, #tpu.memory_space<vmem_shared>>
        %dma_wait3A_45 = arith.constant 0 : i32
        %dma_wait3A_46 = tpu.memref_slice %arg5[%mul3A_5, %dma_wait3A_45] : memref<5008x128xf32, #tpu.memory_space<vmem_shared>> -> memref<312x128xf32, #tpu.memory_space<vmem_shared>>
        %dma_wait3A_47 = arith.constant 0 : i32
        %dma_wait3A_48 = arith.constant 0 : i32
        %dma_wait3A_49 = tpu.memref_slice %arg6[%dma_wait3A_47, %dma_wait3A_48] : memref<320x128xf32, #tpu.memory_space<vmem>> -> memref<312x128xf32, #tpu.memory_space<vmem>>
        tpu.wait_dma2 semaphore(%run_scoped3A : memref<!tpu.dma_semaphore, #tpu.memory_space<semaphore_mem>>) src(%dma_wait3A_49 : memref<312x128xf32, #tpu.memory_space<vmem>>) dst(%dma_wait3A_46 : memref<312x128xf32, #tpu.memory_space<vmem_shared>>)
        tpu.yield
      }) : () -> ()
    } else {
    }
    %eq3A = arith.constant 15 : i32
    %eq3A_8 = arith.cmpi eq, %arg1, %eq3A : i32
    %convert_element_type3A_9 = arith.extui %eq3A_8 : i1 to i32
    %cond3A_10 = arith.constant 0 : i32
    %cond3A_11 = arith.cmpi ne, %convert_element_type3A_9, %cond3A_10 : i32
    scf.if %cond3A_11 {
      "tpu.region"() ({
        %run_scoped3A = tpu.sem_alloc : memref<!tpu.dma_semaphore, #tpu.memory_space<semaphore_mem>>
        %dma_start3A = arith.constant 0 : i32
        %dma_start3A_32 = tpu.memref_slice %arg5[%mul3A_5, %dma_start3A] : memref<5008x128xf32, #tpu.memory_space<vmem_shared>> -> memref<320x128xf32, #tpu.memory_space<vmem_shared>>
        %dma_start3A_33 = arith.constant 0 : i32
        %dma_start3A_34 = tpu.memref_slice %arg5[%mul3A_5, %dma_start3A_33] : memref<5008x128xf32, #tpu.memory_space<vmem_shared>> -> memref<320x128xf32, #tpu.memory_space<vmem_shared>>
        tpu.enqueue_dma source(%arg6 : memref<320x128xf32, #tpu.memory_space<vmem>>) target(%dma_start3A_34 : memref<320x128xf32, #tpu.memory_space<vmem_shared>>) target_semaphore(%run_scoped3A : memref<!tpu.dma_semaphore, #tpu.memory_space<semaphore_mem>>)
        %dma_wait3A = arith.constant 0 : i32
        %dma_wait3A_35 = tpu.memref_slice %arg5[%mul3A_5, %dma_wait3A] : memref<5008x128xf32, #tpu.memory_space<vmem_shared>> -> memref<320x128xf32, #tpu.memory_space<vmem_shared>>
        %dma_wait3A_36 = arith.constant 0 : i32
        %dma_wait3A_37 = tpu.memref_slice %arg5[%mul3A_5, %dma_wait3A_36] : memref<5008x128xf32, #tpu.memory_space<vmem_shared>> -> memref<320x128xf32, #tpu.memory_space<vmem_shared>>
        tpu.wait_dma2 semaphore(%run_scoped3A : memref<!tpu.dma_semaphore, #tpu.memory_space<semaphore_mem>>) src(%arg6 : memref<320x128xf32, #tpu.memory_space<vmem>>) dst(%dma_wait3A_37 : memref<320x128xf32, #tpu.memory_space<vmem_shared>>)
        tpu.yield
      }) : () -> ()
      "tpu.region"() ({
        %run_scoped3A = tpu.sem_alloc : memref<!tpu.dma_semaphore, #tpu.memory_space<semaphore_mem>>
        %dma_start3A = arith.constant 0 : i32
        %dma_start3A_32 = arith.constant 0 : i32
        %dma_start3A_33 = tpu.memref_slice %arg6[%dma_start3A, %dma_start3A_32] : memref<320x128xf32, #tpu.memory_space<vmem>> -> memref<8x128xf32, #tpu.memory_space<vmem>>
        %dma_start3A_34 = arith.constant 5000 : i32
        %dma_start3A_35 = arith.constant 0 : i32
        %dma_start3A_36 = tpu.memref_slice %arg5[%dma_start3A_34, %dma_start3A_35] : memref<5008x128xf32, #tpu.memory_space<vmem_shared>> -> memref<8x128xf32, #tpu.memory_space<vmem_shared>>
        %dma_start3A_37 = arith.constant 5000 : i32
        %dma_start3A_38 = arith.constant 0 : i32
        %dma_start3A_39 = tpu.memref_slice %arg5[%dma_start3A_37, %dma_start3A_38] : memref<5008x128xf32, #tpu.memory_space<vmem_shared>> -> memref<8x128xf32, #tpu.memory_space<vmem_shared>>
        %dma_start3A_40 = arith.constant 0 : i32
        %dma_start3A_41 = arith.constant 0 : i32
        %dma_start3A_42 = tpu.memref_slice %arg6[%dma_start3A_40, %dma_start3A_41] : memref<320x128xf32, #tpu.memory_space<vmem>> -> memref<8x128xf32, #tpu.memory_space<vmem>>
        tpu.enqueue_dma source(%dma_start3A_42 : memref<8x128xf32, #tpu.memory_space<vmem>>) target(%dma_start3A_39 : memref<8x128xf32, #tpu.memory_space<vmem_shared>>) target_semaphore(%run_scoped3A : memref<!tpu.dma_semaphore, #tpu.memory_space<semaphore_mem>>)
        %dma_wait3A = arith.constant 0 : i32
        %dma_wait3A_43 = arith.constant 0 : i32
        %dma_wait3A_44 = tpu.memref_slice %arg6[%dma_wait3A, %dma_wait3A_43] : memref<320x128xf32, #tpu.memory_space<vmem>> -> memref<8x128xf32, #tpu.memory_space<vmem>>
        %dma_wait3A_45 = arith.constant 5000 : i32
        %dma_wait3A_46 = arith.constant 0 : i32
        %dma_wait3A_47 = tpu.memref_slice %arg5[%dma_wait3A_45, %dma_wait3A_46] : memref<5008x128xf32, #tpu.memory_space<vmem_shared>> -> memref<8x128xf32, #tpu.memory_space<vmem_shared>>
        %dma_wait3A_48 = arith.constant 5000 : i32
        %dma_wait3A_49 = arith.constant 0 : i32
        %dma_wait3A_50 = tpu.memref_slice %arg5[%dma_wait3A_48, %dma_wait3A_49] : memref<5008x128xf32, #tpu.memory_space<vmem_shared>> -> memref<8x128xf32, #tpu.memory_space<vmem_shared>>
        %dma_wait3A_51 = arith.constant 0 : i32
        %dma_wait3A_52 = arith.constant 0 : i32
        %dma_wait3A_53 = tpu.memref_slice %arg6[%dma_wait3A_51, %dma_wait3A_52] : memref<320x128xf32, #tpu.memory_space<vmem>> -> memref<8x128xf32, #tpu.memory_space<vmem>>
        tpu.wait_dma2 semaphore(%run_scoped3A : memref<!tpu.dma_semaphore, #tpu.memory_space<semaphore_mem>>) src(%dma_wait3A_53 : memref<8x128xf32, #tpu.memory_space<vmem>>) dst(%dma_wait3A_50 : memref<8x128xf32, #tpu.memory_space<vmem_shared>>)
        tpu.yield
      }) : () -> ()
    } else {
    }
    %barrier3A = arith.constant 0 : index
    tpu.barrier barrier_id(%barrier3A)
    %mul3A_12 = arith.constant 20000 : i32
    %mul3A_13 = arith.muli %arg1, %mul3A_12 : i32
    %mul3A_14 = arith.constant 5000 : i32
    %mul3A_15 = arith.muli %arg0, %mul3A_14 : i32
    %scan3A_16 = arith.constant 0 : i32
    %scan3A_17 = arith.constant 250 : i32
    %scan3A_18 = arith.addi %scan3A_16, %scan3A_17 : i32
    %scan3A_19 = arith.constant 1 : i32
    scf.for %scan3A_32 = %scan3A_16 to %scan3A_18 step %scan3A_19  : i32 {
      %mul3A_33 = arith.constant 80 : i32
      %mul3A_34 = arith.muli %scan3A_32, %mul3A_33 : i32
      %add3A = arith.constant 0 : i32
      %add3A_35 = arith.addi %add3A, %mul3A_34 : i32
      %add3A_36 = arith.addi %mul3A_13, %add3A_35 : i32
      "tpu.region"() ({
        %run_scoped3A = tpu.sem_alloc : memref<!tpu.dma_semaphore, #tpu.memory_space<semaphore_mem>>
        %dma_start3A = arith.constant 0 : i32
        %dma_start3A_126 = tpu.memref_slice %arg2[%add3A_36, %dma_start3A] : memref<320000x128xf32, #tpu.memory_space<hbm>> -> memref<80x128xf32, #tpu.memory_space<hbm>>
        %dma_start3A_127 = arith.constant 0 : i32
        %dma_start3A_128 = tpu.memref_slice %arg2[%add3A_36, %dma_start3A_127] : memref<320000x128xf32, #tpu.memory_space<hbm>> -> memref<80x128xf32, #tpu.memory_space<hbm>>
        tpu.enqueue_dma source(%dma_start3A_128 : memref<80x128xf32, #tpu.memory_space<hbm>>) target(%arg7 : memref<80x128xf32, #tpu.memory_space<vmem>>) target_semaphore(%run_scoped3A : memref<!tpu.dma_semaphore, #tpu.memory_space<semaphore_mem>>)
        %dma_wait3A = arith.constant 0 : i32
        %dma_wait3A_129 = tpu.memref_slice %arg2[%add3A_36, %dma_wait3A] : memref<320000x128xf32, #tpu.memory_space<hbm>> -> memref<80x128xf32, #tpu.memory_space<hbm>>
        %dma_wait3A_130 = arith.constant 0 : i32
        %dma_wait3A_131 = tpu.memref_slice %arg2[%add3A_36, %dma_wait3A_130] : memref<320000x128xf32, #tpu.memory_space<hbm>> -> memref<80x128xf32, #tpu.memory_space<hbm>>
        tpu.wait_dma2 semaphore(%run_scoped3A : memref<!tpu.dma_semaphore, #tpu.memory_space<semaphore_mem>>) src(%dma_wait3A_131 : memref<80x128xf32, #tpu.memory_space<hbm>>) dst(%arg7 : memref<80x128xf32, #tpu.memory_space<vmem>>)
        tpu.yield
      }) : () -> ()
      %add3A_37 = arith.addi %mul3A_13, %add3A_35 : i32
      "tpu.region"() ({
        %run_scoped3A = tpu.sem_alloc : memref<!tpu.dma_semaphore, #tpu.memory_space<semaphore_mem>>
        %dma_start3A = tpu.memref_slice %arg3[%add3A_37] : memref<320000xi32, #tpu.memory_space<hbm>> -> memref<80xi32, #tpu.memory_space<hbm>>
        %dma_start3A_126 = tpu.memref_slice %arg3[%add3A_37] : memref<320000xi32, #tpu.memory_space<hbm>> -> memref<80xi32, #tpu.memory_space<hbm>>
        tpu.enqueue_dma source(%dma_start3A_126 : memref<80xi32, #tpu.memory_space<hbm>>) target(%arg8 : memref<80xi32, #tpu.memory_space<vmem>>) target_semaphore(%run_scoped3A : memref<!tpu.dma_semaphore, #tpu.memory_space<semaphore_mem>>)
        %dma_wait3A = tpu.memref_slice %arg3[%add3A_37] : memref<320000xi32, #tpu.memory_space<hbm>> -> memref<80xi32, #tpu.memory_space<hbm>>
        %dma_wait3A_127 = tpu.memref_slice %arg3[%add3A_37] : memref<320000xi32, #tpu.memory_space<hbm>> -> memref<80xi32, #tpu.memory_space<hbm>>
        tpu.wait_dma2 semaphore(%run_scoped3A : memref<!tpu.dma_semaphore, #tpu.memory_space<semaphore_mem>>) src(%dma_wait3A_127 : memref<80xi32, #tpu.memory_space<hbm>>) dst(%arg8 : memref<80xi32, #tpu.memory_space<vmem>>)
        tpu.yield
      }) : () -> ()
      %get3A = arith.constant 0 : index
      %get3A_38 = tpu.vector_load %arg8[%get3A] {strides = array<i32>} : memref<80xi32, #tpu.memory_space<vmem>>, vector<16xi32>,
      %get3A_39 = vector.shape_cast %get3A_38 : vector<16xi32> to vector<16xi32>
      %sub3A = vector.broadcast %mul3A_15 : i32 to vector<16xi32>
      %sub3A_40 = arith.subi %get3A_39, %sub3A : vector<16xi32>
      %ge3A = arith.constant 0 : i32
      %ge3A_41 = vector.broadcast %ge3A : i32 to vector<16xi32>
      %ge3A_42 = arith.cmpi sge, %sub3A_40, %ge3A_41 : vector<16xi32>
      %lt3A_43 = arith.constant 5000 : i32
      %lt3A_44 = vector.broadcast %lt3A_43 : i32 to vector<16xi32>
      %lt3A_45 = arith.cmpi slt, %sub3A_40, %lt3A_44 : vector<16xi32>
      %and3A = arith.andi %ge3A_42, %lt3A_45 : vector<16xi1>
      %jit3A = arith.constant 5000 : i32
      %broadcast_in_dim3A_46 = vector.broadcast %jit3A : i32 to vector<16xi32>
      %select_n3A = arith.select %and3A, %sub3A_40, %broadcast_in_dim3A_46 : vector<16xi1>, vector<16xi32>
      %swap3A = arith.constant 0 : index
      %swap3A_47 = tpu.vector_load %arg8[%swap3A] {strides = array<i32>} : memref<80xi32, #tpu.memory_space<vmem>>, vector<16xi32>,
      %swap3A_48 = vector.shape_cast %swap3A_47 : vector<16xi32> to vector<16xi32>
      %swap3A_49 = vector.shape_cast %select_n3A : vector<16xi32> to vector<16xi32>
      tpu.vector_store %arg8[%swap3A], %swap3A_49 {strides = array<i32>} : memref<80xi32, #tpu.memory_space<vmem>>, vector<16xi32>,
      %get3A_50 = arith.constant 16 : index
      %get3A_51 = tpu.vector_load %arg8[%get3A_50] {strides = array<i32>} : memref<80xi32, #tpu.memory_space<vmem>>, vector<16xi32>,
      %get3A_52 = vector.shape_cast %get3A_51 : vector<16xi32> to vector<16xi32>
      %sub3A_53 = vector.broadcast %mul3A_15 : i32 to vector<16xi32>
      %sub3A_54 = arith.subi %get3A_52, %sub3A_53 : vector<16xi32>
      %ge3A_55 = arith.constant 0 : i32
      %ge3A_56 = vector.broadcast %ge3A_55 : i32 to vector<16xi32>
      %ge3A_57 = arith.cmpi sge, %sub3A_54, %ge3A_56 : vector<16xi32>
      %lt3A_58 = arith.constant 5000 : i32
      %lt3A_59 = vector.broadcast %lt3A_58 : i32 to vector<16xi32>
      %lt3A_60 = arith.cmpi slt, %sub3A_54, %lt3A_59 : vector<16xi32>
      %and3A_61 = arith.andi %ge3A_57, %lt3A_60 : vector<16xi1>
      %jit3A_62 = arith.constant 5000 : i32
      %broadcast_in_dim3A_63 = vector.broadcast %jit3A_62 : i32 to vector<16xi32>
      %select_n3A_64 = arith.select %and3A_61, %sub3A_54, %broadcast_in_dim3A_63 : vector<16xi1>, vector<16xi32>
      %swap3A_65 = arith.constant 16 : index
      %swap3A_66 = tpu.vector_load %arg8[%swap3A_65] {strides = array<i32>} : memref<80xi32, #tpu.memory_space<vmem>>, vector<16xi32>,
      %swap3A_67 = vector.shape_cast %swap3A_66 : vector<16xi32> to vector<16xi32>
      %swap3A_68 = vector.shape_cast %select_n3A_64 : vector<16xi32> to vector<16xi32>
      tpu.vector_store %arg8[%swap3A_65], %swap3A_68 {strides = array<i32>} : memref<80xi32, #tpu.memory_space<vmem>>, vector<16xi32>,
      %get3A_69 = arith.constant 32 : index
      %get3A_70 = tpu.vector_load %arg8[%get3A_69] {strides = array<i32>} : memref<80xi32, #tpu.memory_space<vmem>>, vector<16xi32>,
      %get3A_71 = vector.shape_cast %get3A_70 : vector<16xi32> to vector<16xi32>
      %sub3A_72 = vector.broadcast %mul3A_15 : i32 to vector<16xi32>
      %sub3A_73 = arith.subi %get3A_71, %sub3A_72 : vector<16xi32>
      %ge3A_74 = arith.constant 0 : i32
      %ge3A_75 = vector.broadcast %ge3A_74 : i32 to vector<16xi32>
      %ge3A_76 = arith.cmpi sge, %sub3A_73, %ge3A_75 : vector<16xi32>
      %lt3A_77 = arith.constant 5000 : i32
      %lt3A_78 = vector.broadcast %lt3A_77 : i32 to vector<16xi32>
      %lt3A_79 = arith.cmpi slt, %sub3A_73, %lt3A_78 : vector<16xi32>
      %and3A_80 = arith.andi %ge3A_76, %lt3A_79 : vector<16xi1>
      %jit3A_81 = arith.constant 5000 : i32
      %broadcast_in_dim3A_82 = vector.broadcast %jit3A_81 : i32 to vector<16xi32>
      %select_n3A_83 = arith.select %and3A_80, %sub3A_73, %broadcast_in_dim3A_82 : vector<16xi1>, vector<16xi32>
      %swap3A_84 = arith.constant 32 : index
      %swap3A_85 = tpu.vector_load %arg8[%swap3A_84] {strides = array<i32>} : memref<80xi32, #tpu.memory_space<vmem>>, vector<16xi32>,
      %swap3A_86 = vector.shape_cast %swap3A_85 : vector<16xi32> to vector<16xi32>
      %swap3A_87 = vector.shape_cast %select_n3A_83 : vector<16xi32> to vector<16xi32>
      tpu.vector_store %arg8[%swap3A_84], %swap3A_87 {strides = array<i32>} : memref<80xi32, #tpu.memory_space<vmem>>, vector<16xi32>,
      %get3A_88 = arith.constant 48 : index
      %get3A_89 = tpu.vector_load %arg8[%get3A_88] {strides = array<i32>} : memref<80xi32, #tpu.memory_space<vmem>>, vector<16xi32>,
      %get3A_90 = vector.shape_cast %get3A_89 : vector<16xi32> to vector<16xi32>
      %sub3A_91 = vector.broadcast %mul3A_15 : i32 to vector<16xi32>
      %sub3A_92 = arith.subi %get3A_90, %sub3A_91 : vector<16xi32>
      %ge3A_93 = arith.constant 0 : i32
      %ge3A_94 = vector.broadcast %ge3A_93 : i32 to vector<16xi32>
      %ge3A_95 = arith.cmpi sge, %sub3A_92, %ge3A_94 : vector<16xi32>
      %lt3A_96 = arith.constant 5000 : i32
      %lt3A_97 = vector.broadcast %lt3A_96 : i32 to vector<16xi32>
      %lt3A_98 = arith.cmpi slt, %sub3A_92, %lt3A_97 : vector<16xi32>
      %and3A_99 = arith.andi %ge3A_95, %lt3A_98 : vector<16xi1>
      %jit3A_100 = arith.constant 5000 : i32
      %broadcast_in_dim3A_101 = vector.broadcast %jit3A_100 : i32 to vector<16xi32>
      %select_n3A_102 = arith.select %and3A_99, %sub3A_92, %broadcast_in_dim3A_101 : vector<16xi1>, vector<16xi32>
      %swap3A_103 = arith.constant 48 : index
      %swap3A_104 = tpu.vector_load %arg8[%swap3A_103] {strides = array<i32>} : memref<80xi32, #tpu.memory_space<vmem>>, vector<16xi32>,
      %swap3A_105 = vector.shape_cast %swap3A_104 : vector<16xi32> to vector<16xi32>
      %swap3A_106 = vector.shape_cast %select_n3A_102 : vector<16xi32> to vector<16xi32>
      tpu.vector_store %arg8[%swap3A_103], %swap3A_106 {strides = array<i32>} : memref<80xi32, #tpu.memory_space<vmem>>, vector<16xi32>,
      %get3A_107 = arith.constant 64 : index
      %get3A_108 = tpu.vector_load %arg8[%get3A_107] {strides = array<i32>} : memref<80xi32, #tpu.memory_space<vmem>>, vector<16xi32>,
      %get3A_109 = vector.shape_cast %get3A_108 : vector<16xi32> to vector<16xi32>
      %sub3A_110 = vector.broadcast %mul3A_15 : i32 to vector<16xi32>
      %sub3A_111 = arith.subi %get3A_109, %sub3A_110 : vector<16xi32>
      %ge3A_112 = arith.constant 0 : i32
      %ge3A_113 = vector.broadcast %ge3A_112 : i32 to vector<16xi32>
      %ge3A_114 = arith.cmpi sge, %sub3A_111, %ge3A_113 : vector<16xi32>
      %lt3A_115 = arith.constant 5000 : i32
      %lt3A_116 = vector.broadcast %lt3A_115 : i32 to vector<16xi32>
      %lt3A_117 = arith.cmpi slt, %sub3A_111, %lt3A_116 : vector<16xi32>
      %and3A_118 = arith.andi %ge3A_114, %lt3A_117 : vector<16xi1>
      %jit3A_119 = arith.constant 5000 : i32
      %broadcast_in_dim3A_120 = vector.broadcast %jit3A_119 : i32 to vector<16xi32>
      %select_n3A_121 = arith.select %and3A_118, %sub3A_111, %broadcast_in_dim3A_120 : vector<16xi1>, vector<16xi32>
      %swap3A_122 = arith.constant 64 : index
      %swap3A_123 = tpu.vector_load %arg8[%swap3A_122] {strides = array<i32>} : memref<80xi32, #tpu.memory_space<vmem>>, vector<16xi32>,
      %swap3A_124 = vector.shape_cast %swap3A_123 : vector<16xi32> to vector<16xi32>
      %swap3A_125 = vector.shape_cast %select_n3A_121 : vector<16xi32> to vector<16xi32>
      tpu.vector_store %arg8[%swap3A_122], %swap3A_125 {strides = array<i32>} : memref<80xi32, #tpu.memory_space<vmem>>, vector<16xi32>,
      "tpu.region"() ({
        %run_scoped3A = tpu.sem_alloc : memref<!tpu.dma_semaphore, #tpu.memory_space<semaphore_mem>>
        %dma_start3A = arith.constant 0 : i32
        %dma_start3A_126 = arith.constant 0 : i32
        %dma_start3A_127 = tpu.memref_slice %arg5[%dma_start3A, %dma_start3A_126] : memref<5008x128xf32, #tpu.memory_space<vmem_shared>> -> memref<5008x128xf32, #tpu.memory_space<vmem_shared>>
        tpu.enqueue_indirect_dma source(%arg7 : memref<80x128xf32, #tpu.memory_space<vmem>>) target(%dma_start3A_127 : memref<5008x128xf32, #tpu.memory_space<vmem_shared>>) offsets(%arg8 : memref<80xi32, #tpu.memory_space<vmem>>) semaphore(%run_scoped3A : memref<!tpu.dma_semaphore, #tpu.memory_space<semaphore_mem>>) {add = true}
        %dma_wait3A = arith.constant 0 : i32
        %dma_wait3A_128 = arith.constant 0 : i32
        %dma_wait3A_129 = tpu.memref_slice %arg5[%dma_wait3A, %dma_wait3A_128] : memref<5008x128xf32, #tpu.memory_space<vmem_shared>> -> memref<5008x128xf32, #tpu.memory_space<vmem_shared>>
        tpu.wait_indirect_dma semaphore(%run_scoped3A : memref<!tpu.dma_semaphore, #tpu.memory_space<semaphore_mem>>) src(%arg7 : memref<80x128xf32, #tpu.memory_space<vmem>>) dst(%dma_wait3A_129 : memref<5008x128xf32, #tpu.memory_space<vmem_shared>>)
        tpu.yield
      }) : () -> ()
    }
    %scan3A_20 = arith.constant 250 : i32
    %barrier3A_21 = arith.constant 0 : index
    tpu.barrier barrier_id(%barrier3A_21)
    %lt3A_22 = arith.constant 15 : i32
    %lt3A_23 = arith.cmpi slt, %arg1, %lt3A_22 : i32
    %convert_element_type3A_24 = arith.extui %lt3A_23 : i1 to i32
    %cond3A_25 = arith.constant 0 : i32
    %cond3A_26 = arith.cmpi ne, %convert_element_type3A_24, %cond3A_25 : i32
    scf.if %cond3A_26 {
      "tpu.region"() ({
        %run_scoped3A = tpu.sem_alloc : memref<!tpu.dma_semaphore, #tpu.memory_space<semaphore_mem>>
        %dma_start3A = arith.constant 0 : i32
        %dma_start3A_32 = tpu.memref_slice %arg4[%arg0, %mul3A_5, %dma_start3A] : memref<2x5000x128xf32, #tpu.memory_space<hbm>> -> memref<1x312x128xf32, #tpu.memory_space<hbm>>
        %dma_start3A_33 = tpu.memref_squeeze %dma_start3A_32 : memref<1x312x128xf32, #tpu.memory_space<hbm>> -> memref<312x128xf32, #tpu.memory_space<hbm>>
        %dma_start3A_34 = arith.constant 0 : i32
        %dma_start3A_35 = tpu.memref_slice %arg5[%mul3A_5, %dma_start3A_34] : memref<5008x128xf32, #tpu.memory_space<vmem_shared>> -> memref<312x128xf32, #tpu.memory_space<vmem_shared>>
        tpu.enqueue_dma source(%dma_start3A_35 : memref<312x128xf32, #tpu.memory_space<vmem_shared>>) target(%dma_start3A_33 : memref<312x128xf32, #tpu.memory_space<hbm>>) target_semaphore(%run_scoped3A : memref<!tpu.dma_semaphore, #tpu.memory_space<semaphore_mem>>)
        %dma_wait3A = arith.constant 0 : i32
        %dma_wait3A_36 = tpu.memref_slice %arg4[%arg0, %mul3A_5, %dma_wait3A] : memref<2x5000x128xf32, #tpu.memory_space<hbm>> -> memref<1x312x128xf32, #tpu.memory_space<hbm>>
        %dma_wait3A_37 = tpu.memref_squeeze %dma_wait3A_36 : memref<1x312x128xf32, #tpu.memory_space<hbm>> -> memref<312x128xf32, #tpu.memory_space<hbm>>
        %dma_wait3A_38 = arith.constant 0 : i32
        %dma_wait3A_39 = tpu.memref_slice %arg5[%mul3A_5, %dma_wait3A_38] : memref<5008x128xf32, #tpu.memory_space<vmem_shared>> -> memref<312x128xf32, #tpu.memory_space<vmem_shared>>
        tpu.wait_dma2 semaphore(%run_scoped3A : memref<!tpu.dma_semaphore, #tpu.memory_space<semaphore_mem>>) src(%dma_wait3A_39 : memref<312x128xf32, #tpu.memory_space<vmem_shared>>) dst(%dma_wait3A_37 : memref<312x128xf32, #tpu.memory_space<hbm>>)
        tpu.yield
      }) : () -> ()
    } else {
    }
    %eq3A_27 = arith.constant 15 : i32
    %eq3A_28 = arith.cmpi eq, %arg1, %eq3A_27 : i32
    %convert_element_type3A_29 = arith.extui %eq3A_28 : i1 to i32
    %cond3A_30 = arith.constant 0 : i32
    %cond3A_31 = arith.cmpi ne, %convert_element_type3A_29, %cond3A_30 : i32
    scf.if %cond3A_31 {
      "tpu.region"() ({
        %run_scoped3A = tpu.sem_alloc : memref<!tpu.dma_semaphore, #tpu.memory_space<semaphore_mem>>
        %dma_start3A = arith.constant 0 : i32
        %dma_start3A_32 = tpu.memref_slice %arg4[%arg0, %mul3A_5, %dma_start3A] : memref<2x5000x128xf32, #tpu.memory_space<hbm>> -> memref<1x320x128xf32, #tpu.memory_space<hbm>>
        %dma_start3A_33 = tpu.memref_squeeze %dma_start3A_32 : memref<1x320x128xf32, #tpu.memory_space<hbm>> -> memref<320x128xf32, #tpu.memory_space<hbm>>
        %dma_start3A_34 = arith.constant 0 : i32
        %dma_start3A_35 = tpu.memref_slice %arg5[%mul3A_5, %dma_start3A_34] : memref<5008x128xf32, #tpu.memory_space<vmem_shared>> -> memref<320x128xf32, #tpu.memory_space<vmem_shared>>
        tpu.enqueue_dma source(%dma_start3A_35 : memref<320x128xf32, #tpu.memory_space<vmem_shared>>) target(%dma_start3A_33 : memref<320x128xf32, #tpu.memory_space<hbm>>) target_semaphore(%run_scoped3A : memref<!tpu.dma_semaphore, #tpu.memory_space<semaphore_mem>>)
        %dma_wait3A = arith.constant 0 : i32
        %dma_wait3A_36 = tpu.memref_slice %arg4[%arg0, %mul3A_5, %dma_wait3A] : memref<2x5000x128xf32, #tpu.memory_space<hbm>> -> memref<1x320x128xf32, #tpu.memory_space<hbm>>
        %dma_wait3A_37 = tpu.memref_squeeze %dma_wait3A_36 : memref<1x320x128xf32, #tpu.memory_space<hbm>> -> memref<320x128xf32, #tpu.memory_space<hbm>>
        %dma_wait3A_38 = arith.constant 0 : i32
        %dma_wait3A_39 = tpu.memref_slice %arg5[%mul3A_5, %dma_wait3A_38] : memref<5008x128xf32, #tpu.memory_space<vmem_shared>> -> memref<320x128xf32, #tpu.memory_space<vmem_shared>>
        tpu.wait_dma2 semaphore(%run_scoped3A : memref<!tpu.dma_semaphore, #tpu.memory_space<semaphore_mem>>) src(%dma_wait3A_39 : memref<320x128xf32, #tpu.memory_space<vmem_shared>>) dst(%dma_wait3A_37 : memref<320x128xf32, #tpu.memory_space<hbm>>)
        tpu.yield
      }) : () -> ()
    } else {
    }
    return
  }
}

module attributes {stable_mosaic.version = 14 : i64} {
  func.func @_prep_body(%arg0: i32, %arg1: memref<2000x128xf32, #tpu.memory_space<vmem>>, %arg2: memref<128x128xf32, #tpu.memory_space<vmem>>, %arg3: memref<1x128xf32, #tpu.memory_space<vmem>>, %arg4: memref<128x256xf32, #tpu.memory_space<vmem>>, %arg5: memref<1x256xf32, #tpu.memory_space<vmem>>, %arg6: memref<2000x128xf32, #tpu.memory_space<vmem>>, %arg7: memref<2000x256xf32, #tpu.memory_space<vmem>>) attributes {dimension_semantics = [#tpu.dimension_semantics<arbitrary>], iteration_bounds = array<i64: 5>, scalar_prefetch = 0 : i64, scratch_operands = 0 : i64, tpu.core_type = #tpu.core_type<tc>, window_params = [{transform_indices = @transform_0, window_bounds = array<i64: 2000, 128>}, {pipeline_mode = #tpu.pipeline_mode<synchronous>, transform_indices = @transform_1, window_bounds = array<i64: 128, 128>}, {pipeline_mode = #tpu.pipeline_mode<synchronous>, transform_indices = @transform_2, window_bounds = array<i64: 1, 128>}, {pipeline_mode = #tpu.pipeline_mode<synchronous>, transform_indices = @transform_3, window_bounds = array<i64: 128, 256>}, {pipeline_mode = #tpu.pipeline_mode<synchronous>, transform_indices = @transform_4, window_bounds = array<i64: 1, 256>}, {transform_indices = @transform_5, window_bounds = array<i64: 2000, 128>}, {transform_indices = @transform_6, window_bounds = array<i64: 2000, 256>}]} {
    %get3A = arith.constant 0 : index
    %get3A_0 = arith.constant 0 : index
    %get3A_1 = vector.load %arg1[%get3A, %get3A_0] : memref<2000x128xf32, #tpu.memory_space<vmem>>, vector<2000x128xf32>
    %get3A_2 = arith.constant 0 : index
    %get3A_3 = arith.constant 0 : index
    %get3A_4 = vector.load %arg2[%get3A_2, %get3A_3] : memref<128x128xf32, #tpu.memory_space<vmem>>, vector<128x128xf32>
    %dot_general3A = arith.constant dense<0.000000e+00> : vector<2000x128xf32>
    %dot_general3A_5 = tpu.matmul %get3A_1, %get3A_4, %dot_general3A {dimension_numbers = #tpu.dot_dimension_numbers<[1], [0], [0], [1], [0, 0, 1, 1], [], []>, transpose_lhs_hint = false} : vector<2000x128xf32>, vector<128x128xf32>, vector<2000x128xf32> -> vector<2000x128xf32>
    %get3A_6 = arith.constant 0 : index
    %get3A_7 = arith.constant 0 : index
    %get3A_8 = vector.load %arg3[%get3A_6, %get3A_7] : memref<1x128xf32, #tpu.memory_space<vmem>>, vector<1x128xf32>
    %add3A = vector.broadcast %get3A_8 : vector<1x128xf32> to vector<2000x128xf32>
    %add3A_9 = arith.addf %dot_general3A_5, %add3A : vector<2000x128xf32>
    %swap3A = arith.constant 0 : index
    %swap3A_10 = arith.constant 0 : index
    %swap3A_11 = vector.load %arg6[%swap3A, %swap3A_10] : memref<2000x128xf32, #tpu.memory_space<vmem>>, vector<2000x128xf32>
    tpu.vector_store %arg6[%swap3A, %swap3A_10], %add3A_9 {strides = array<i32>} : memref<2000x128xf32, #tpu.memory_space<vmem>>, vector<2000x128xf32>,
    %get3A_12 = arith.constant 0 : index
    %get3A_13 = arith.constant 0 : index
    %get3A_14 = vector.load %arg4[%get3A_12, %get3A_13] : memref<128x256xf32, #tpu.memory_space<vmem>>, vector<128x256xf32>
    %dot_general3A_15 = arith.constant dense<0.000000e+00> : vector<2000x256xf32>
    %dot_general3A_16 = tpu.matmul %get3A_1, %get3A_14, %dot_general3A_15 {dimension_numbers = #tpu.dot_dimension_numbers<[1], [0], [0], [1], [0, 0, 1, 1], [], []>, transpose_lhs_hint = false} : vector<2000x128xf32>, vector<128x256xf32>, vector<2000x256xf32> -> vector<2000x256xf32>
    %get3A_17 = arith.constant 0 : index
    %get3A_18 = arith.constant 0 : index
    %get3A_19 = vector.load %arg5[%get3A_17, %get3A_18] : memref<1x256xf32, #tpu.memory_space<vmem>>, vector<1x256xf32>
    %add3A_20 = vector.broadcast %get3A_19 : vector<1x256xf32> to vector<2000x256xf32>
    %add3A_21 = arith.addf %dot_general3A_16, %add3A_20 : vector<2000x256xf32>
    %swap3A_22 = arith.constant 0 : index
    %swap3A_23 = arith.constant 0 : index
    %swap3A_24 = vector.load %arg7[%swap3A_22, %swap3A_23] : memref<2000x256xf32, #tpu.memory_space<vmem>>, vector<2000x256xf32>
    tpu.vector_store %arg7[%swap3A_22, %swap3A_23], %add3A_21 {strides = array<i32>} : memref<2000x256xf32, #tpu.memory_space<vmem>>, vector<2000x256xf32>,
    return
  }
  func.func @transform_0(%arg0: i32) -> (i32, i32) {
    %c0_i32 = arith.constant 0 : i32
    %c0_i32_0 = arith.constant 0 : i32
    return %arg0, %c0_i32 : i32, i32
  }
  func.func @transform_1(%arg0: i32) -> (i32, i32) {
    %c0_i32 = arith.constant 0 : i32
    %c0_i32_0 = arith.constant 0 : i32
    %c0_i32_1 = arith.constant 0 : i32
    return %c0_i32, %c0_i32_0 : i32, i32
  }
  func.func @transform_2(%arg0: i32) -> (i32, i32) {
    %c0_i32 = arith.constant 0 : i32
    %c0_i32_0 = arith.constant 0 : i32
    %c0_i32_1 = arith.constant 0 : i32
    return %c0_i32, %c0_i32_0 : i32, i32
  }
  func.func @transform_3(%arg0: i32) -> (i32, i32) {
    %c0_i32 = arith.constant 0 : i32
    %c0_i32_0 = arith.constant 0 : i32
    %c0_i32_1 = arith.constant 0 : i32
    return %c0_i32, %c0_i32_0 : i32, i32
  }
  func.func @transform_4(%arg0: i32) -> (i32, i32) {
    %c0_i32 = arith.constant 0 : i32
    %c0_i32_0 = arith.constant 0 : i32
    %c0_i32_1 = arith.constant 0 : i32
    return %c0_i32, %c0_i32_0 : i32, i32
  }
  func.func @transform_5(%arg0: i32) -> (i32, i32) {
    %c0_i32 = arith.constant 0 : i32
    %c0_i32_0 = arith.constant 0 : i32
    return %arg0, %c0_i32 : i32, i32
  }
  func.func @transform_6(%arg0: i32) -> (i32, i32) {
    %c0_i32 = arith.constant 0 : i32
    %c0_i32_0 = arith.constant 0 : i32
    return %arg0, %c0_i32 : i32, i32
  }
}

module attributes {stable_mosaic.version = 14 : i64} {
  func.func @_edge_body(%arg0: i32, %arg1: memref<3200x128xf32, #tpu.memory_space<vmem>>, %arg2: memref<3200x256xf32, #tpu.memory_space<vmem>>, %arg3: memref<3200x16xf32, #tpu.memory_space<vmem>>, %arg4: memref<1x1x3200xf32, #tpu.memory_space<vmem>>, %arg5: memref<16x128xf32, #tpu.memory_space<vmem>>, %arg6: memref<1x128xf32, #tpu.memory_space<vmem>>, %arg7: memref<1x128xf32, #tpu.memory_space<vmem>>, %arg8: memref<128x1xf32, #tpu.memory_space<vmem>>, %arg9: memref<1x1xf32, #tpu.memory_space<vmem>>, %arg10: memref<3200x128xf32, #tpu.memory_space<vmem>>) attributes {dimension_semantics = [#tpu.dimension_semantics<arbitrary>], iteration_bounds = array<i64: 100>, scalar_prefetch = 0 : i64, scratch_operands = 0 : i64, tpu.core_type = #tpu.core_type<tc>, window_params = [{transform_indices = @transform_0, window_bounds = array<i64: 3200, 128>}, {transform_indices = @transform_1, window_bounds = array<i64: 3200, 256>}, {transform_indices = @transform_2, window_bounds = array<i64: 3200, 16>}, {transform_indices = @transform_3, window_bounds = array<i64: 1, 1, 3200>}, {pipeline_mode = #tpu.pipeline_mode<synchronous>, transform_indices = @transform_4, window_bounds = array<i64: 16, 128>}, {pipeline_mode = #tpu.pipeline_mode<synchronous>, transform_indices = @transform_5, window_bounds = array<i64: 1, 128>}, {pipeline_mode = #tpu.pipeline_mode<synchronous>, transform_indices = @transform_6, window_bounds = array<i64: 1, 128>}, {pipeline_mode = #tpu.pipeline_mode<synchronous>, transform_indices = @transform_7, window_bounds = array<i64: 128, 1>}, {pipeline_mode = #tpu.pipeline_mode<synchronous>, transform_indices = @transform_8, window_bounds = array<i64: 1, 1>}, {transform_indices = @transform_9, window_bounds = array<i64: 3200, 128>}]} {
    %get3A = arith.constant 0 : index
    %get3A_0 = arith.constant 0 : index
    %get3A_1 = vector.load %arg1[%get3A, %get3A_0] : memref<3200x128xf32, #tpu.memory_space<vmem>>, vector<3200x128xf32>
    %get3A_2 = arith.constant 0 : index
    %get3A_3 = arith.constant 0 : index
    %get3A_4 = vector.load %arg2[%get3A_2, %get3A_3] : memref<3200x256xf32, #tpu.memory_space<vmem>>, vector<3200x256xf32>
    %get3A_5 = arith.constant 0 : index
    %get3A_6 = arith.constant 0 : index
    %get3A_7 = vector.load %arg3[%get3A_5, %get3A_6] : memref<3200x16xf32, #tpu.memory_space<vmem>>, vector<3200x16xf32>
    %slice3A = vector.extract_strided_slice %get3A_4 {offsets = [0, 0], sizes = [3200, 128], strides = [1, 1]} : vector<3200x256xf32> to vector<3200x128xf32>
    %add3A = arith.addf %get3A_1, %slice3A : vector<3200x128xf32>
    %get3A_8 = arith.constant 0 : index
    %get3A_9 = arith.constant 0 : index
    %get3A_10 = vector.load %arg5[%get3A_8, %get3A_9] : memref<16x128xf32, #tpu.memory_space<vmem>>, vector<16x128xf32>
    %dot_general3A = arith.constant dense<0.000000e+00> : vector<3200x128xf32>
    %dot_general3A_11 = tpu.matmul %get3A_7, %get3A_10, %dot_general3A {dimension_numbers = #tpu.dot_dimension_numbers<[1], [0], [0], [1], [0, 0, 1, 1], [], []>, transpose_lhs_hint = false} : vector<3200x16xf32>, vector<16x128xf32>, vector<3200x128xf32> -> vector<3200x128xf32>
    %add3A_12 = arith.addf %add3A, %dot_general3A_11 : vector<3200x128xf32>
    %get3A_13 = arith.constant 0 : index
    %get3A_14 = arith.constant 0 : index
    %get3A_15 = vector.load %arg6[%get3A_13, %get3A_14] : memref<1x128xf32, #tpu.memory_space<vmem>>, vector<1x128xf32>
    %mul3A = vector.broadcast %get3A_15 : vector<1x128xf32> to vector<3200x128xf32>
    %mul3A_16 = arith.mulf %add3A_12, %mul3A : vector<3200x128xf32>
    %get3A_17 = arith.constant 0 : index
    %get3A_18 = arith.constant 0 : index
    %get3A_19 = vector.load %arg7[%get3A_17, %get3A_18] : memref<1x128xf32, #tpu.memory_space<vmem>>, vector<1x128xf32>
    %add3A_20 = vector.broadcast %get3A_19 : vector<1x128xf32> to vector<3200x128xf32>
    %add3A_21 = arith.addf %mul3A_16, %add3A_20 : vector<3200x128xf32>
    %mul3A_22 = arith.constant 5.000000e-01 : f32
    %mul3A_23 = vector.broadcast %mul3A_22 : f32 to vector<3200x128xf32>
    %mul3A_24 = arith.mulf %mul3A_23, %add3A_21 : vector<3200x128xf32>
    %mul3A_25 = arith.constant 0.707106769 : f32
    %mul3A_26 = vector.broadcast %mul3A_25 : f32 to vector<3200x128xf32>
    %mul3A_27 = arith.mulf %add3A_21, %mul3A_26 : vector<3200x128xf32>
    %erf3A = math.erf %mul3A_27 : vector<3200x128xf32>
    %add3A_28 = arith.constant 1.000000e+00 : f32
    %add3A_29 = vector.broadcast %add3A_28 : f32 to vector<3200x128xf32>
    %add3A_30 = arith.addf %add3A_29, %erf3A : vector<3200x128xf32>
    %mul3A_31 = arith.mulf %mul3A_24, %add3A_30 : vector<3200x128xf32>
    %get3A_32 = arith.constant 0 : index
    %get3A_33 = arith.constant 0 : index
    %get3A_34 = vector.load %arg8[%get3A_32, %get3A_33] : memref<128x1xf32, #tpu.memory_space<vmem>>, vector<128x1xf32>
    %dot_general3A_35 = arith.constant dense<0.000000e+00> : vector<3200x1xf32>
    %dot_general3A_36 = tpu.matmul %mul3A_31, %get3A_34, %dot_general3A_35 {dimension_numbers = #tpu.dot_dimension_numbers<[1], [0], [0], [1], [0, 0, 1, 1], [], []>, transpose_lhs_hint = false} : vector<3200x128xf32>, vector<128x1xf32>, vector<3200x1xf32> -> vector<3200x1xf32>
    %get3A_37 = arith.constant 0 : index
    %get3A_38 = arith.constant 0 : index
    %get3A_39 = vector.load %arg9[%get3A_37, %get3A_38] : memref<1x1xf32, #tpu.memory_space<vmem>>, vector<1x1xf32>
    %add3A_40 = vector.broadcast %get3A_39 : vector<1x1xf32> to vector<3200x1xf32>
    %add3A_41 = arith.addf %dot_general3A_36, %add3A_40 : vector<3200x1xf32>
    %squeeze3A = vector.shape_cast %add3A_41 : vector<3200x1xf32> to vector<3200xf32>
    %neg3A = arith.constant 0.000000e+00 : f32
    %neg3A_42 = vector.broadcast %neg3A : f32 to vector<3200xf32>
    %neg3A_43 = arith.subf %neg3A_42, %squeeze3A : vector<3200xf32>
    %exp3A = math.exp %neg3A_43 : vector<3200xf32>
    %add3A_44 = arith.constant 1.000000e+00 : f32
    %add3A_45 = vector.broadcast %add3A_44 : f32 to vector<3200xf32>
    %add3A_46 = arith.addf %add3A_45, %exp3A : vector<3200xf32>
    %div3A = arith.constant 1.000000e+00 : f32
    %div3A_47 = vector.broadcast %div3A : f32 to vector<3200xf32>
    %div3A_48 = arith.divf %div3A_47, %add3A_46 : vector<3200xf32>
    %get3A_49 = arith.constant 0 : index
    %get3A_50 = arith.constant 0 : index
    %get3A_51 = arith.constant 0 : index
    %get3A_52 = vector.load %arg4[%get3A_49, %get3A_50, %get3A_51] : memref<1x1x3200xf32, #tpu.memory_space<vmem>>, vector<1x1x3200xf32>
    %get3A_53 = vector.shape_cast %get3A_52 : vector<1x1x3200xf32> to vector<3200xf32>
    %mul3A_54 = arith.mulf %get3A_53, %div3A_48 : vector<3200xf32>
    %slice3A_55 = vector.extract_strided_slice %get3A_4 {offsets = [0, 128], sizes = [3200, 128], strides = [1, 1]} : vector<3200x256xf32> to vector<3200x128xf32>
    %broadcast_in_dim3A = vector.shape_cast %mul3A_54 : vector<3200xf32> to vector<3200x1xf32>
    %mul3A_56 = vector.broadcast %broadcast_in_dim3A : vector<3200x1xf32> to vector<3200x128xf32>
    %mul3A_57 = arith.mulf %slice3A_55, %mul3A_56 : vector<3200x128xf32>
    %swap3A = arith.constant 0 : index
    %swap3A_58 = arith.constant 0 : index
    %swap3A_59 = vector.load %arg10[%swap3A, %swap3A_58] : memref<3200x128xf32, #tpu.memory_space<vmem>>, vector<3200x128xf32>
    tpu.vector_store %arg10[%swap3A, %swap3A_58], %mul3A_57 {strides = array<i32>} : memref<3200x128xf32, #tpu.memory_space<vmem>>, vector<3200x128xf32>,
    return
  }
  func.func @transform_0(%arg0: i32) -> (i32, i32) {
    %c0_i32 = arith.constant 0 : i32
    %c0_i32_0 = arith.constant 0 : i32
    return %arg0, %c0_i32 : i32, i32
  }
  func.func @transform_1(%arg0: i32) -> (i32, i32) {
    %c0_i32 = arith.constant 0 : i32
    %c0_i32_0 = arith.constant 0 : i32
    return %arg0, %c0_i32 : i32, i32
  }
  func.func @transform_2(%arg0: i32) -> (i32, i32) {
    %c0_i32 = arith.constant 0 : i32
    %c0_i32_0 = arith.constant 0 : i32
    return %arg0, %c0_i32 : i32, i32
  }
  func.func @transform_3(%arg0: i32) -> (i32, i32, i32) {
    %c0_i32 = arith.constant 0 : i32
    %c0_i32_0 = arith.constant 0 : i32
    %c0_i32_1 = arith.constant 0 : i32
    return %arg0, %c0_i32, %c0_i32_0 : i32, i32, i32
  }
  func.func @transform_4(%arg0: i32) -> (i32, i32) {
    %c0_i32 = arith.constant 0 : i32
    %c0_i32_0 = arith.constant 0 : i32
    %c0_i32_1 = arith.constant 0 : i32
    return %c0_i32, %c0_i32_0 : i32, i32
  }
  func.func @transform_5(%arg0: i32) -> (i32, i32) {
    %c0_i32 = arith.constant 0 : i32
    %c0_i32_0 = arith.constant 0 : i32
    %c0_i32_1 = arith.constant 0 : i32
    return %c0_i32, %c0_i32_0 : i32, i32
  }
  func.func @transform_6(%arg0: i32) -> (i32, i32) {
    %c0_i32 = arith.constant 0 : i32
    %c0_i32_0 = arith.constant 0 : i32
    %c0_i32_1 = arith.constant 0 : i32
    return %c0_i32, %c0_i32_0 : i32, i32
  }
  func.func @transform_7(%arg0: i32) -> (i32, i32) {
    %c0_i32 = arith.constant 0 : i32
    %c0_i32_0 = arith.constant 0 : i32
    %c0_i32_1 = arith.constant 0 : i32
    return %c0_i32, %c0_i32_0 : i32, i32
  }
  func.func @transform_8(%arg0: i32) -> (i32, i32) {
    %c0_i32 = arith.constant 0 : i32
    %c0_i32_0 = arith.constant 0 : i32
    %c0_i32_1 = arith.constant 0 : i32
    return %c0_i32, %c0_i32_0 : i32, i32
  }
  func.func @transform_9(%arg0: i32) -> (i32, i32) {
    %c0_i32 = arith.constant 0 : i32
    %c0_i32_0 = arith.constant 0 : i32
    return %arg0, %c0_i32 : i32, i32
  }
}

module attributes {stable_mosaic.version = 14 : i64} {
  func.func @_final_body(%arg0: i32, %arg1: memref<1000x128xf32, #tpu.memory_space<vmem>>, %arg2: memref<1x1000x128xf32, #tpu.memory_space<vmem>>, %arg3: memref<128x128xf32, #tpu.memory_space<vmem>>, %arg4: memref<128x128xf32, #tpu.memory_space<vmem>>, %arg5: memref<1x128xf32, #tpu.memory_space<vmem>>, %arg6: memref<1x128xf32, #tpu.memory_space<vmem>>, %arg7: memref<1x128xf32, #tpu.memory_space<vmem>>, %arg8: memref<1000x128xf32, #tpu.memory_space<vmem>>) attributes {dimension_semantics = [#tpu.dimension_semantics<arbitrary>], iteration_bounds = array<i64: 10>, scalar_prefetch = 0 : i64, scratch_operands = 0 : i64, tpu.core_type = #tpu.core_type<tc>, window_params = [{transform_indices = @transform_0, window_bounds = array<i64: 1000, 128>}, {transform_indices = @transform_1, window_bounds = array<i64: 1, 1000, 128>}, {pipeline_mode = #tpu.pipeline_mode<synchronous>, transform_indices = @transform_2, window_bounds = array<i64: 128, 128>}, {pipeline_mode = #tpu.pipeline_mode<synchronous>, transform_indices = @transform_3, window_bounds = array<i64: 128, 128>}, {pipeline_mode = #tpu.pipeline_mode<synchronous>, transform_indices = @transform_4, window_bounds = array<i64: 1, 128>}, {pipeline_mode = #tpu.pipeline_mode<synchronous>, transform_indices = @transform_5, window_bounds = array<i64: 1, 128>}, {pipeline_mode = #tpu.pipeline_mode<synchronous>, transform_indices = @transform_6, window_bounds = array<i64: 1, 128>}, {transform_indices = @transform_7, window_bounds = array<i64: 1000, 128>}]} {
    %get3A = arith.constant 0 : index
    %get3A_0 = arith.constant 0 : index
    %get3A_1 = vector.load %arg1[%get3A, %get3A_0] : memref<1000x128xf32, #tpu.memory_space<vmem>>, vector<1000x128xf32>
    %get3A_2 = arith.constant 0 : index
    %get3A_3 = arith.constant 0 : index
    %get3A_4 = arith.constant 0 : index
    %get3A_5 = vector.load %arg2[%get3A_2, %get3A_3, %get3A_4] : memref<1x1000x128xf32, #tpu.memory_space<vmem>>, vector<1x1000x128xf32>
    %get3A_6 = vector.shape_cast %get3A_5 : vector<1x1000x128xf32> to vector<1000x128xf32>
    %get3A_7 = arith.constant 0 : index
    %get3A_8 = arith.constant 0 : index
    %get3A_9 = vector.load %arg3[%get3A_7, %get3A_8] : memref<128x128xf32, #tpu.memory_space<vmem>>, vector<128x128xf32>
    %dot_general3A = arith.constant dense<0.000000e+00> : vector<1000x128xf32>
    %dot_general3A_10 = tpu.matmul %get3A_1, %get3A_9, %dot_general3A {dimension_numbers = #tpu.dot_dimension_numbers<[1], [0], [0], [1], [0, 0, 1, 1], [], []>, transpose_lhs_hint = false} : vector<1000x128xf32>, vector<128x128xf32>, vector<1000x128xf32> -> vector<1000x128xf32>
    %get3A_11 = arith.constant 0 : index
    %get3A_12 = arith.constant 0 : index
    %get3A_13 = vector.load %arg4[%get3A_11, %get3A_12] : memref<128x128xf32, #tpu.memory_space<vmem>>, vector<128x128xf32>
    %dot_general3A_14 = arith.constant dense<0.000000e+00> : vector<1000x128xf32>
    %dot_general3A_15 = tpu.matmul %get3A_6, %get3A_13, %dot_general3A_14 {dimension_numbers = #tpu.dot_dimension_numbers<[1], [0], [0], [1], [0, 0, 1, 1], [], []>, transpose_lhs_hint = false} : vector<1000x128xf32>, vector<128x128xf32>, vector<1000x128xf32> -> vector<1000x128xf32>
    %add3A = arith.addf %dot_general3A_10, %dot_general3A_15 : vector<1000x128xf32>
    %get3A_16 = arith.constant 0 : index
    %get3A_17 = arith.constant 0 : index
    %get3A_18 = vector.load %arg5[%get3A_16, %get3A_17] : memref<1x128xf32, #tpu.memory_space<vmem>>, vector<1x128xf32>
    %add3A_19 = vector.broadcast %get3A_18 : vector<1x128xf32> to vector<1000x128xf32>
    %add3A_20 = arith.addf %add3A, %add3A_19 : vector<1000x128xf32>
    %mul3A = arith.constant 5.000000e-01 : f32
    %mul3A_21 = vector.broadcast %mul3A : f32 to vector<1000x128xf32>
    %mul3A_22 = arith.mulf %mul3A_21, %add3A_20 : vector<1000x128xf32>
    %mul3A_23 = arith.constant 0.707106769 : f32
    %mul3A_24 = vector.broadcast %mul3A_23 : f32 to vector<1000x128xf32>
    %mul3A_25 = arith.mulf %add3A_20, %mul3A_24 : vector<1000x128xf32>
    %erf3A = math.erf %mul3A_25 : vector<1000x128xf32>
    %add3A_26 = arith.constant 1.000000e+00 : f32
    %add3A_27 = vector.broadcast %add3A_26 : f32 to vector<1000x128xf32>
    %add3A_28 = arith.addf %add3A_27, %erf3A : vector<1000x128xf32>
    %mul3A_29 = arith.mulf %mul3A_22, %add3A_28 : vector<1000x128xf32>
    %add3A_30 = arith.addf %get3A_1, %mul3A_29 : vector<1000x128xf32>
    %reduce_sum3A = arith.constant dense<0.000000e+00> : vector<1000xf32>
    %reduce_sum3A_31 = vector.multi_reduction <add>, %add3A_30, %reduce_sum3A [1] : vector<1000x128xf32> to vector<1000xf32>
    %broadcast_in_dim3A = vector.shape_cast %reduce_sum3A_31 : vector<1000xf32> to vector<1000x1xf32>
    %div3A = arith.constant 1.280000e+02 : f32
    %div3A_32 = vector.broadcast %div3A : f32 to vector<1000x1xf32>
    %div3A_33 = arith.divf %broadcast_in_dim3A, %div3A_32 : vector<1000x1xf32>
    %sub3A = vector.broadcast %div3A_33 : vector<1000x1xf32> to vector<1000x128xf32>
    %sub3A_34 = arith.subf %add3A_30, %sub3A : vector<1000x128xf32>
    %integer_pow3A = arith.mulf %sub3A_34, %sub3A_34 : vector<1000x128xf32>
    %reduce_sum3A_35 = arith.constant dense<0.000000e+00> : vector<1000xf32>
    %reduce_sum3A_36 = vector.multi_reduction <add>, %integer_pow3A, %reduce_sum3A_35 [1] : vector<1000x128xf32> to vector<1000xf32>
    %broadcast_in_dim3A_37 = vector.shape_cast %reduce_sum3A_36 : vector<1000xf32> to vector<1000x1xf32>
    %div3A_38 = arith.constant 1.280000e+02 : f32
    %div3A_39 = vector.broadcast %div3A_38 : f32 to vector<1000x1xf32>
    %div3A_40 = arith.divf %broadcast_in_dim3A_37, %div3A_39 : vector<1000x1xf32>
    %sub3A_41 = vector.broadcast %div3A_33 : vector<1000x1xf32> to vector<1000x128xf32>
    %sub3A_42 = arith.subf %add3A_30, %sub3A_41 : vector<1000x128xf32>
    %add3A_43 = arith.constant 9.99999974E-6 : f32
    %add3A_44 = vector.broadcast %add3A_43 : f32 to vector<1000x1xf32>
    %add3A_45 = arith.addf %div3A_40, %add3A_44 : vector<1000x1xf32>
    %sqrt3A = math.sqrt %add3A_45 : vector<1000x1xf32>
    %div3A_46 = vector.broadcast %sqrt3A : vector<1000x1xf32> to vector<1000x128xf32>
    %div3A_47 = arith.divf %sub3A_42, %div3A_46 : vector<1000x128xf32>
    %get3A_48 = arith.constant 0 : index
    %get3A_49 = arith.constant 0 : index
    %get3A_50 = vector.load %arg6[%get3A_48, %get3A_49] : memref<1x128xf32, #tpu.memory_space<vmem>>, vector<1x128xf32>
    %mul3A_51 = vector.broadcast %get3A_50 : vector<1x128xf32> to vector<1000x128xf32>
    %mul3A_52 = arith.mulf %div3A_47, %mul3A_51 : vector<1000x128xf32>
    %get3A_53 = arith.constant 0 : index
    %get3A_54 = arith.constant 0 : index
    %get3A_55 = vector.load %arg7[%get3A_53, %get3A_54] : memref<1x128xf32, #tpu.memory_space<vmem>>, vector<1x128xf32>
    %add3A_56 = vector.broadcast %get3A_55 : vector<1x128xf32> to vector<1000x128xf32>
    %add3A_57 = arith.addf %mul3A_52, %add3A_56 : vector<1000x128xf32>
    %swap3A = arith.constant 0 : index
    %swap3A_58 = arith.constant 0 : index
    %swap3A_59 = vector.load %arg8[%swap3A, %swap3A_58] : memref<1000x128xf32, #tpu.memory_space<vmem>>, vector<1000x128xf32>
    tpu.vector_store %arg8[%swap3A, %swap3A_58], %add3A_57 {strides = array<i32>} : memref<1000x128xf32, #tpu.memory_space<vmem>>, vector<1000x128xf32>,
    return
  }
  func.func @transform_0(%arg0: i32) -> (i32, i32) {
    %c0_i32 = arith.constant 0 : i32
    %c0_i32_0 = arith.constant 0 : i32
    return %arg0, %c0_i32 : i32, i32
  }
  func.func @transform_1(%arg0: i32) -> (i32, i32, i32) {
    %jit3A = arith.constant 5 : i32
    %div3A = arith.divsi %arg0, %jit3A : i32
    %sign3A = arith.constant 0 : i32
    %sign3A_0 = arith.cmpi sgt, %arg0, %sign3A : i32
    %sign3A_1 = arith.extui %sign3A_0 : i1 to i32
    %sign3A_2 = arith.constant 0 : i32
    %sign3A_3 = arith.cmpi slt, %arg0, %sign3A_2 : i32
    %sign3A_4 = arith.extui %sign3A_3 : i1 to i32
    %sign3A_5 = arith.subi %sign3A_1, %sign3A_4 : i32
    %sign3A_6 = arith.constant 0 : i32
    %sign3A_7 = arith.cmpi sgt, %jit3A, %sign3A_6 : i32
    %sign3A_8 = arith.extui %sign3A_7 : i1 to i32
    %sign3A_9 = arith.constant 0 : i32
    %sign3A_10 = arith.cmpi slt, %jit3A, %sign3A_9 : i32
    %sign3A_11 = arith.extui %sign3A_10 : i1 to i32
    %sign3A_12 = arith.subi %sign3A_8, %sign3A_11 : i32
    %ne3A = arith.cmpi ne, %sign3A_5, %sign3A_12 : i32
    %rem3A = arith.remsi %arg0, %jit3A : i32
    %ne3A_13 = arith.constant 0 : i32
    %ne3A_14 = arith.cmpi ne, %rem3A, %ne3A_13 : i32
    %and3A = arith.andi %ne3A, %ne3A_14 : i1
    %sub3A = arith.constant 1 : i32
    %sub3A_15 = arith.subi %div3A, %sub3A : i32
    %select_n3A = arith.select %and3A, %sub3A_15, %div3A : i32
    %jit3A_16 = arith.constant 5 : i32
    %eq3A = arith.constant 0 : i32
    %eq3A_17 = arith.cmpi eq, %jit3A_16, %eq3A : i32
    %jit3A_18 = arith.constant 1 : i32
    %select_n3A_19 = arith.select %eq3A_17, %jit3A_18, %jit3A_16 : i32
    %rem3A_20 = arith.remsi %arg0, %select_n3A_19 : i32
    %ne3A_21 = arith.constant 0 : i32
    %ne3A_22 = arith.cmpi ne, %rem3A_20, %ne3A_21 : i32
    %lt3A = arith.constant 0 : i32
    %lt3A_23 = arith.cmpi slt, %rem3A_20, %lt3A : i32
    %lt3A_24 = arith.constant 0 : i32
    %lt3A_25 = arith.cmpi slt, %select_n3A_19, %lt3A_24 : i32
    %ne3A_26 = arith.xori %lt3A_23, %lt3A_25 : i1
    %and3A_27 = arith.andi %ne3A_26, %ne3A_22 : i1
    %add3A = arith.addi %rem3A_20, %select_n3A_19 : i32
    %select_n3A_28 = arith.select %and3A_27, %add3A, %rem3A_20 : i32
    %c0_i32 = arith.constant 0 : i32
    %c0_i32_29 = arith.constant 0 : i32
    return %select_n3A, %select_n3A_28, %c0_i32 : i32, i32, i32
  }
  func.func @transform_2(%arg0: i32) -> (i32, i32) {
    %c0_i32 = arith.constant 0 : i32
    %c0_i32_0 = arith.constant 0 : i32
    %c0_i32_1 = arith.constant 0 : i32
    return %c0_i32, %c0_i32_0 : i32, i32
  }
  func.func @transform_3(%arg0: i32) -> (i32, i32) {
    %c0_i32 = arith.constant 0 : i32
    %c0_i32_0 = arith.constant 0 : i32
    %c0_i32_1 = arith.constant 0 : i32
    return %c0_i32, %c0_i32_0 : i32, i32
  }
  func.func @transform_4(%arg0: i32) -> (i32, i32) {
    %c0_i32 = arith.constant 0 : i32
    %c0_i32_0 = arith.constant 0 : i32
    %c0_i32_1 = arith.constant 0 : i32
    return %c0_i32, %c0_i32_0 : i32, i32
  }
  func.func @transform_5(%arg0: i32) -> (i32, i32) {
    %c0_i32 = arith.constant 0 : i32
    %c0_i32_0 = arith.constant 0 : i32
    %c0_i32_1 = arith.constant 0 : i32
    return %c0_i32, %c0_i32_0 : i32, i32
  }
  func.func @transform_6(%arg0: i32) -> (i32, i32) {
    %c0_i32 = arith.constant 0 : i32
    %c0_i32_0 = arith.constant 0 : i32
    %c0_i32_1 = arith.constant 0 : i32
    return %c0_i32, %c0_i32_0 : i32, i32
  }
  func.func @transform_7(%arg0: i32) -> (i32, i32) {
    %c0_i32 = arith.constant 0 : i32
    %c0_i32_0 = arith.constant 0 : i32
    return %arg0, %c0_i32 : i32, i32
  }
}

</mosaic_0001>

<sc_bundles>
// kernel: kernel.10.cloned.1.call-start
scs
__scs_entry_jumppad:
0x0: {  	(pc) =	sbr.rel $0x88, $3  }
0x1: {  	(tag) =	ssettag $0x0;
	lr =	simm.s32 $0x1  }
0x2: {  	[smem:$0x3F91] =	sst lr;
	_ =	strace $0xD0000000  }
0x3: {  	_ = 	snop  }
0x4: {  	_ = 	snop  }
0x5: {  	_ = 	snop  }
0x6: {  	_ = 	snop  }
0x7: {  	_ = 	snop  }
__scs_overlays_trampoline_lowered:
0x8: {  	[smem:$0x3FA0] =	sst s0  }
0x9: {  	[smem:$0x3FA1] =	sst s1  }
0xa: {  	[smem:$0x3FA2] =	sst s2  }
0xb: {  	[smem:$0x3FA3] =	sst s3  }
0xc: {  	[smem:$0x3FA4] =	sst s4  }
0xd: {  	[smem:$0x3FA5] =	sst s5  }
0xe: {  	[smem:$0x3FA6] =	sst s6  }
0xf: {  	[smem:$0x3FA7] =	sst s7  }
0x10: {  	[smem:$0x3FA8] =	sst s8  }
0x11: {  	[smem:$0x3FA9] =	sst s9;
	s0 =	simm.s32 @!p0 $0x0  }
0x12: {  	s1 =	sld [smem:$0x3F8F];
	s0 =	simm.s32 @p0 $0x1  }
0x13: {  	[smem:$0x3FAA] =	sst s0;
	s0 =	simm.s32 @!p1 $0x0  }
0x14: {  	s2 =	sld [smem:$0x3F8E];
	s0 =	simm.s32 @p1 $0x1  }
0x15: {  	[smem:$0x3FAB] =	sst s0;
	s0 =	simm.s32 @!p2 $0x0  }
0x16: {  	s3 =	sld [smem:$0x3FDB];
	s0 =	simm.s32 @p2 $0x1  }
0x17: {  	s4 =	simm.s32 $0x1BF5;
	[smem:$0x3FAD] =	sst s0  }
0x18: {  	s0 =	sld [smem:$0x3F90];
	_ =	swait.ge [sflag:s4], $0x0  }
0x19: {  	s7 =	sld [smem:$0x3F91]  }
0x1a: {  	s8 =	sadd.s32 $0xFFFFE003, lr  }
0x1b: {  	s9 =	sadd.s32 $0xFFFFFEF7, lr;
	s5 =	simm.s32 $0xFFFFFFFF;
	p2 =	slt.u32 s8, $0xFFFFF086  }
0x1c: {  	p1 =	slt.u32 s9, $0xF7A;
	s5 =	simm.s32 @!p2 $0x0  }
0x1d: {  	s5 =	simm.s32 @p1 $0x1;
	p0 =	seq.s32 s7, s2  }
0x1e: {  	s7 =	smul.u32 @!p0 $0xF7A, s2;
	p2 =	seq.s32 @!p0 s5, $0x0  }
0x1f: {  	s9 =	smul.u32 $0xF7A, s1;
	s8 =	simm.s32 @!p0 $0x1BF5;
	p2 =	por !p2, p0  }
0x20: {  	[sflag:s8] =	ssyncset.s32 @!p0 $0xFFFFF086;
	s6 =	sadd.s32 @!p0 s3, s7;
	s7 =	simm.s32 @!p0 $0x108  }
0x21: {  	s3 =	sadd.s32 s3, s9;
	s6 =	sadd.s32 @!p0 $0x88, s6;
	s7 =	simm.s32 @p2 $0x1082  }
0x22: {  	[simem:s7], [sflag:s8] =	dma.local @!p0 [hbm:s6], $0xF7A  }
0x23: {  	s9 =	sor.u32 $0xD0000000, s2;
	s6 =	simm.s32 $0x108;
	_ =	swait.ge @!p0 [sflag:s8], $0x0  }
0x24: {  	s3 =	sadd.s32 $0x88, s3;
	s6 =	simm.s32 @!p1 $0x1082;
	[sflag:s4] =	ssyncset.s32 $0xFFFFF086  }
0x25: {  	[simem:s6], [sflag:s4] =	dma.local [hbm:s3], $0xF7A  }
0x26: {  	[smem:$0x3F91] =	sst s1;
	(tag) =	ssettag s2;
	_ =	strace s9  }
0x27: {  	s1 =	sld [smem:$0x3FA1]  }
0x28: {  	s2 =	sld [smem:$0x3FA2]  }
0x29: {  	s4 =	sld [smem:$0x3FA4]  }
0x2a: {  	p0 =	seq.s32 s5, $0x0;
	s5 =	sld [smem:$0x3FA5]  }
0x2b: {  	s6 =	sld [smem:$0x3FA6]  }
0x2c: {  	s7 =	sld [smem:$0x3FA7]  }
0x2d: {  	s3 =	simm.s32 $0x108;
	s8 =	sld [smem:$0x3FA8]  }
0x2e: {  	s3 =	simm.s32 @!p0 $0x1082;
	s9 =	sld [smem:$0x3FA9]  }
0x2f: {  	lr =	sadd.s32 s0, s3;
	s0 =	sld [smem:$0x3FA0]  }
0x30: {  	s3 =	sld [smem:$0x3FA3]  }
0x31: {  	[smem:$0x3FAC] =	sst s10  }
0x32: {  	s10 =	sld [smem:$0x3FAA];
	_ =	sdelay $0x3  }
0x33: {  	p0 =	seq.s32 s10, $0x1;
	s10 =	sld [smem:$0x3FAC];
	_ =	sdelay $0x3  }
0x34: {  	[smem:$0x3FAC] =	sst s10  }
0x35: {  	s10 =	sld [smem:$0x3FAB];
	_ =	sdelay $0x3  }
0x36: {  	p1 =	seq.s32 s10, $0x1;
	s10 =	sld [smem:$0x3FAC];
	_ =	sdelay $0x3  }
0x37: {  	[smem:$0x3FAC] =	sst s10  }
0x38: {  	s10 =	sld [smem:$0x3FAD]  }
0x39: {  	_ = 	snop;
	(pc) =	sbr.ind lr, $3  }
0x3a: {  	_ = 	snop  }
0x3b: {  	_ = 	snop  }
0x3c: {  	p2 =	seq.s32 s10, $0x1;
	s10 =	sld [smem:$0x3FAC]  }
0x3d: {  	_ =	shalt  }
0x3e: {  	_ =	shalt  }
0x3f: {  	_ =	shalt  }
0x40: {  	_ =	shalt  }
0x41: {  	_ =	shalt  }
0x42: {  	_ =	shalt  }
0x43: {  	_ =	shalt  }
0x44: {  	_ =	shalt  }
0x45: {  	_ =	shalt  }
0x46: {  	_ =	shalt  }
0x47: {  	_ =	shalt  }
0x48: {  	_ =	shalt  }
0x49: {  	_ =	shalt  }
0x4a: {  	_ =	shalt  }
0x4b: {  	_ =	shalt  }
0x4c: {  	_ =	shalt  }
0x4d: {  	_ =	shalt  }
0x4e: {  	_ =	shalt  }
0x4f: {  	_ =	shalt  }
0x50: {  	_ =	shalt  }
0x51: {  	_ =	shalt  }
0x52: {  	_ =	shalt  }
0x53: {  	_ =	shalt  }
0x54: {  	_ =	shalt  }
0x55: {  	_ =	shalt  }
0x56: {  	_ =	shalt  }
0x57: {  	_ =	shalt  }
0x58: {  	_ =	shalt  }
0x59: {  	_ =	shalt  }
0x5a: {  	_ =	shalt  }
0x5b: {  	_ =	shalt  }
0x5c: {  	_ =	shalt  }
0x5d: {  	_ =	shalt  }
0x5e: {  	_ =	shalt  }
0x5f: {  	_ =	shalt  }
0x60: {  	_ =	shalt  }
0x61: {  	_ =	shalt  }
0x62: {  	_ =	shalt  }
0x63: {  	_ =	shalt  }
0x64: {  	_ =	shalt  }
0x65: {  	_ =	shalt  }
0x66: {  	_ =	shalt  }
0x67: {  	_ =	shalt  }
0x68: {  	_ =	shalt  }
0x69: {  	_ =	shalt  }
0x6a: {  	_ =	shalt  }
0x6b: {  	_ =	shalt  }
0x6c: {  	_ =	shalt  }
0x6d: {  	_ =	shalt  }
0x6e: {  	_ =	shalt  }
0x6f: {  	_ =	shalt  }
0x70: {  	_ =	shalt  }
0x71: {  	_ =	shalt  }
0x72: {  	_ =	shalt  }
0x73: {  	_ =	shalt  }
0x74: {  	_ =	shalt  }
0x75: {  	_ =	shalt  }
0x76: {  	_ =	shalt  }
0x77: {  	_ =	shalt  }
0x78: {  	_ =	shalt  }
0x79: {  	_ =	shalt  }
0x7a: {  	_ =	shalt  }
0x7b: {  	_ =	shalt  }
0x7c: {  	_ =	shalt  }
0x7d: {  	_ =	shalt  }
0x7e: {  	_ =	shalt  }
0x7f: {  	_ =	shalt  }
0x80: {  	_ =	shalt  }
0x81: {  	_ =	shalt  }
0x82: {  	_ =	shalt  }
0x83: {  	_ =	shalt  }
0x84: {  	_ =	shalt  }
0x85: {  	_ =	shalt  }
0x86: {  	_ =	shalt  }
0x87: {  	_ =	shalt  }
.Lfunc_end0:
.L_simem_size_0:
called_computation.1_lowered:
.L_overlay_start_0:
0x88: {  	s2 =	sld [smem:$0x3FD9]  }
0x89: {  	s3 =	sld [smem:$0x3FFE];
	_ =	sdelay $0x1  }
0x8a: {  	s1 =	srdreg.scid  }
0x8b: {  	s0 =	sand.u32 $0x1, s1  }
0x8c: {  	s17 =	sshll.u32 s0, $0xA;
	s2 =	sadd.s32 s3, s2  }
0x8d: {  	s2 =	sadd.s32 s2, s17  }
0x8e: {  	[smem:$0x3FB8] =	sst s2  }
0x8f: {  	_ = 	snop  }
0x90: {  	s2 =	sld [smem:$0x3FD0];
	(tm) =	ssettm $0x1  }
0x91: {  	s18 =	sld [smem:$0x3FFB];
	_ =	sdelay $0x3  }
0x92: {  	_ =	strace s18  }
0x93: {  	s3 =	sld [smem:$0x3FFC];
	_ =	sdelay $0x3  }
0x94: {  	_ =	strace s3  }
0x95: {  	s3 =	sld [smem:$0x3FFD];
	_ =	sdelay $0x3  }
0x96: {  	_ =	strace s3  }
0x97: {  	_ =	strace $0x8FFFFFFF  }
0x98: {  	s19 =	sld [smem:$0x3FDB];
	_ =	sdelay $0x1  }
0x99: {  	s4 =	simm.s32 $_scs_section_size  }
0x9a: {  	s5 =	simm.s32 $_size__tile_overlayer_lowered;
	s6 =	simm.s32 $_tile_overlayer_lowered  }
0x9b: {  	s22 =	simm.s32 $0x1BFF;
	s21 =	sshll.u32 s6, $0x1;
	s3 =	sadd.s32 s4, s19  }
0x9c: {  	s7 =	simm.s32 $0x0;
	s20 =	sshll.u32 s5, $0x1;
	s5 =	sadd.s32 s21, s3  }
0x9d: {  	[timem:s7], [sflag:s22] =	dma.local [hbm:s5], s20  }
0x9e: {  	_ =	swait.ge [sflag:s22], s20  }
0x9f: {  	s4 =	ssub.s32 $0x0, s20;
	[sflag:s22] =	ssyncset.done $0x0  }
0xa0: {  	[sflag:s22] =	ssyncadd.s32 s4;
	_ =	sdelay $0x1  }
0xa1: {  	s23 =	simm.s32 $0x1B8B  }
0xa2: {  	_ =	swait.ge [sflag:s23], $0x1  }
0xa3: {  	[sflag:s23] =	ssyncset.done $0x0  }
0xa4: {  	s25 =	simm.s32 $0x1B8E;
	s24 =	sld [smem:$0x3FFE];
	[sflag:s23] =	ssyncadd.s32 $0xFFFFFFFF  }
0xa5: {  	s26 =	simm.s32 $execute0_lowered;
	[smem:$0x3FD2] =	sst s25  }
0xa6: {  	s5 =	sshll.u32 s26, $0x1;
	_ =	strace $0x80000049;
	[dreg:$0x1] =	wrdreg $0xFFFFFFFF  }
0xa7: {  	s28 =	simm.s32 $_size_execute0_lowered;
	s3 =	sadd.s32 s3, s5;
	[dreg:$0x0] =	wrdreg $0x0  }
0xa8: {  	s5 =	sshll.u32 s28, $0x1;
	[dreg:$0x2] =	wrdreg s3  }
0xa9: {  	[dreg:$0x3] =	wrdreg s5  }
0xaa: {  	[dreg:$0x4] =	wrdreg $0xC0  }
0xab: {  	_ =	task [dreg:s7], $0x5FFFF  }
0xac: {  	[dreg:$0x1] =	wrdreg $0xFFFFFFFF  }
0xad: {  	[dreg:$0x0] =	wrdreg $0x60  }
0xae: {  	[dreg:$0x2] =	wrdreg s24  }
0xaf: {  	[dreg:$0x3] =	wrdreg s2  }
0xb0: {  	[dreg:$0x4] =	wrdreg $0x0  }
0xb1: {  	[dreg:$0x5] =	wrdreg $0x9  }
0xb2: {  	_ =	task.clear_ibuf [dreg:s7], $0x6FFFF;
	_ =	strace $0x90000049  }
0xb3: {  	s29 =	simm.s32 $0x9;
	_ =	strace $0x8000004B  }
0xb4: {  	_ =	swait.ge [sflag:s29], $0x1  }
0xb5: {  	[sflag:s29] =	ssyncadd.s32 $0xFFFFFFFF  }
0xb6: {  	_ =	strace $0x9000004B  }
0xb7: {  	_ =	sfence  }
0xb8: {  	s30 =	sld [smem:$0x0];
	_ =	sdelay $0x2  }
0xb9: {  	s31 =	sshll.u32 s1, $0xD;
	s1 =	sshrl.u32 s1, $0x2  }
0xba: {  	s3 =	sand.u32 $0x4000, s31;
	s1 =	sadd.s32 s1, s30  }
0xbb: {  	s0 =	sor.u32 s3, s0;
	s1 =	sshll.u32 s1, $0x11  }
0xbc: {  	s0 =	sor.u32 s1, s0  }
0xbd: {  	s0 =	sadd.s32 $0x8F2B, s0  }
0xbe: {  	[sflag:s0] =	ssyncadd.remote.s32 $0x1  }
0xbf: {  	_ =	sfence.sel $0xFFFF  }
0xc0: {  	[dreg:$0x0] =	wrdreg $0xFFFFFFFF;
	(pc) =	sbr.abs _section_cstart, $3  }
0xc1: {  	[dreg:$0x1] =	wrdreg $0xFFFFFFFF  }
0xc2: {  	_ =	task.clear_ibuf [dreg:s7], $0x2FFFF;
	_ =	strace $0x9FFFFFFF  }
0xc3: {  	(tm) =	ssettm $0x7FFFFFFF  }
tec
execute0_lowered:
.L_overlay_start_1:
0x0: {  	(tag) =	ssettag $0x1  }
0x1: {  	s4 =	rddreg [dreg:$0x0]  }
0x2: {  	s7 =	rddreg [dreg:$0x1];
	s1 =	stileid.u32  }
0x3: {  	s2 =	rddreg [dreg:$0x2];
	s5 =	smul.u32 $0x4E200, s1  }
0x4: {  	s0 =	rddreg [dreg:$0x3];
	s6 =	smul.u32 $0x9C4, s1  }
0x5: {  	s3 =	simm.s32 $0x0;
	s8 =	srdreg.scid;
	s9 =	smul.u32 $0x27000, s1  }
0x6: {  	s16 =	simm.s32 $0x0;
	s8 =	sand.u32 $0x1, s8;
	s13 =	smul.u32 $0x9C00, s1  }
0x7: {  	[smem:$0x7FF] =	sst s3;
	p0 =	seq.s32 s1, $0xF;
	s11 =	smul.u32 $0x9C400, s8  }
0x8: {  	_ =	strace $0x8000004A;
	s30 =	ssub.s32 $0x2, s8;
	s15 =	smul.u32 $0x1388, s8  }
0x9: {  	s10 =	sadd.s32 s5, s4;
	s12 =	sshrl.u32 s30, $0x1;
	s9 =	sshrl.u32 s9, $0x2  }
0xa: {  	s14 =	sadd.s32 s6, s4;
	s5 =	sadd.s32 $0x92400, s2;
	s6 =	sadd.s32 $0x9C400, s2  }
0xb: {  	s12 =	ssub.s32 s30, s12;
	s4 =	sadd.s32 s9, s2;
	s31 =	sadd.s32 s13, s11  }
0xc: {  	s11 =	sshrl.u32 s11, $0x3;
	s10 =	sadd.s32 $0x13EDE00, s10;
	s13 =	simm.s32 $0x1  }
0xd: {  	v0 =	vmov s15;
	s15 =	simm.s32 $0x50;
	s9 =	sshrl.u32 s31, $0x3;
	s11 =	sadd.s32 s7, s11  }
0xe: {  	s7 =	sadd.s32 s7, s9;
	s8 =	sadd.s32 $0x12480, s11;
	s9 =	smax.u32 s12, $0x1  }
0xf: {  	v1 =	vimm.f32 $0.0e+00;
	s11 =	sadd.s32 $0xDC00, s14;
	s12 =	simm.s32 $0x13C80;
	s14 =	simm.s32 $0x16480  }
.LBB2_1:
0x10: {  	s17 =	simm.s32 $0x0;
	s18 =	simm.s32 $0x200  }
.LBB2_2:
0x11: {  	p1 =	sne.s32 s18, $0x27E00;
	[tilespmem:s17+$0x9CF0] =	vst v1  }
0x12: {  	[tilespmem:s17+$0x9C80] =	vst v1  }
0x13: {  	[tilespmem:s17+$0x9C90] =	vst v1  }
.Ltmp0:
0x14: {  	[tilespmem:s17+$0x9CA0] =	vst v1;
	(pc) =	sbr.rel @p1 .LBB2_2-.Ltmp0, $4  }
0x15: {  	[tilespmem:s17+$0x9CB0] =	vst v1  }
0x16: {  	[tilespmem:s17+$0x9CC0] =	vst v1  }
0x17: {  	[tilespmem:s17+$0x9CD0] =	vst v1  }
0x18: {  	[tilespmem:s17+$0x9CE0] =	vst v1;
	s17 =	sshra.s32 s18, $0x2;
	s18 =	sadd.s32 $0x200, s18  }
0x19: {  	[tilespmem:s17+$0x9CF0] =	vst v1  }
0x1a: {  	[tilespmem:s17+$0x9C80] =	vst v1  }
0x1b: {  	[tilespmem:s17+$0x9C90] =	vst v1  }
0x1c: {  	[tilespmem:s17+$0x9CA0] =	vst v1  }
0x1d: {  	[tilespmem:s17+$0x9CB0] =	vst v1  }
0x1e: {  	[tilespmem:s17+$0x9CC0] =	vst v1  }
0x1f: {  	[tilespmem:s17+$0x9CD0] =	vst v1  }
0x20: {  	[tilespmem:s17+$0x9CE0] =	vst v1;
	s17 =	simm.s32 @p0 $0x9C80;
	s18 =	simm.s32 @p0 $0x1  }
0x21: {  	[spmem:s5] =	stream.linear.scatter @p0 [tilespmem:s17], [sflag:$0x1], $0xA000, $0x38;
	[tilespmem:$0x16500] =	vst v63  }
0x22: {  	_ =	swait.ge @p0 [sflag:s18], $0xA000  }
0x23: {  	[sflag:s18] =	ssyncset.done @p0 $0x0  }
0x24: {  	[sflag:s18] =	ssyncadd.s32 @p0 $0xFFFF6000  }
0x25: {  	[spmem:s6] =	stream.linear.scatter @p0 [tilespmem:s17], [sflag:$0x1], $0x400, $0x38;
	[tilespmem:$0x16500] =	vst v63  }
0x26: {  	_ =	swait.ge @p0 [sflag:s18], $0x400  }
0x27: {  	[sflag:s18] =	ssyncset.done @p0 $0x0  }
0x28: {  	s17 =	simm.s32 @!p0 $0x9C80;
	[sflag:s18] =	ssyncadd.s32 @p0 $0xFFFFFC00  }
0x29: {  	[spmem:s4] =	stream.linear.scatter @!p0 [tilespmem:s17], [sflag:$0x1], $0x9C00, $0x38;
	[tilespmem:$0x16500] =	vst v63  }
0x2a: {  	s17 =	simm.s32 @!p0 $0x1  }
0x2b: {  	_ =	swait.ge @!p0 [sflag:s17], $0x9C00  }
0x2c: {  	[sflag:s17] =	ssyncset.done @!p0 $0x0  }
0x2d: {  	[sflag:s17] =	ssyncadd.s32 @!p0 $0xFFFF6400  }
0x2e: {  	[bflag:$0x0] =	sbarrier.arrive $0xFFFF  }
0x2f: {  	[tilespmem:s12], [sflag:$0x1] =	stream.linear.gather [hbm4b:s10+s3], $0x2800, $0x38;
	[tilespmem:$0x16500] =	vst v63  }
0x30: {  	_ =	swait.ge [sflag:s13], $0x2800  }
0x31: {  	[sflag:s13] =	ssyncset.done $0x0  }
0x32: {  	s31 =	sadd.s32 $0x0, s11;
	[sflag:s13] =	ssyncadd.s32 $0xFFFFD800  }
0x33: {  	[tilespmem:s14], [sflag:$0x1] =	stream.linear.gather [hbm4b:s31+s3], $0x50, $0x38;
	[tilespmem:$0x16500] =	vst v63  }
0x34: {  	_ =	swait.ge [sflag:s13], $0x50  }
0x35: {  	[sflag:s13] =	ssyncset.done $0x0  }
0x36: {  	[sflag:s13] =	ssyncadd.s32 $0xFFFFFFB0  }
0x37: {  	v2 =	vld [tilespmem:$0x164C0]  }
0x38: {  	v3 =	vld [tilespmem:$0x164B0]  }
0x39: {  	v4 =	vld [tilespmem:$0x164A0]  }
0x3a: {  	v5 =	vld [tilespmem:$0x16490]  }
0x3b: {  	v6 =	vld [tilespmem:$0x16480]  }
0x3c: {  	v2 =	vsub.s32 v2, v0  }
0x3d: {  	v3 =	vsub.s32 v3, v0;
	v2 =	vmin.u32 v2, $0x1388  }
0x3e: {  	v4 =	vsub.s32 v4, v0;
	v3 =	vmin.u32 v3, $0x1388;
	[tilespmem:$0x164C0] =	vst v2  }
0x3f: {  	v4 =	vmin.u32 v4, $0x1388;
	v2 =	vsub.s32 v5, v0;
	[tilespmem:$0x164B0] =	vst v3  }
0x40: {  	v3 =	vsub.s32 v6, v0;
	[tilespmem:$0x164A0] =	vst v4;
	v5 =	vmin.u32 v2, $0x1388  }
0x41: {  	s18 =	smov.u32 s10;
	s17 =	simm.s32 $0xA;
	v2 =	vmin.u32 v3, $0x1388;
	[tilespmem:$0x16490] =	vst v5  }
.LBB2_4:
0x42: {  	p1 =	sne.s32 s17, $0x9BA  }
0x43: {  	[tilespmem:$0x16480] =	vst v2;
	s18 =	sadd.s32 $0x500, s18;
	s19 =	smov.u32 s17;
	s17 =	sadd.s32 $0xA, s17  }
0x44: {  	[spmem:s2] =	stream.indirect.scatter.add.f32 [tilespmem:s12], [sflag:$0x1], $0x80, s14, s15, $0xb8;
	[tilespmem:$0x16500] =	vst v63  }
0x45: {  	_ =	swait.ge [sflag:s13], $0x2800  }
0x46: {  	[sflag:s13] =	ssyncset.done $0x0  }
0x47: {  	[sflag:s13] =	ssyncadd.s32 $0xFFFFD800  }
0x48: {  	[tilespmem:s12], [sflag:$0x1] =	stream.linear.gather [hbm4b:s18+s3], $0x2800, $0x38;
	[tilespmem:$0x16500] =	vst v63  }
0x49: {  	_ =	swait.ge [sflag:s13], $0x2800  }
0x4a: {  	[sflag:s13] =	ssyncset.done $0x0  }
0x4b: {  	s19 =	sadd.s32 s19, s11;
	[sflag:s13] =	ssyncadd.s32 $0xFFFFD800  }
0x4c: {  	[tilespmem:s14], [sflag:$0x1] =	stream.linear.gather [hbm4b:s19+s3], $0x50, $0x38;
	[tilespmem:$0x16500] =	vst v63  }
0x4d: {  	_ =	swait.ge [sflag:s13], $0x50  }
0x4e: {  	[sflag:s13] =	ssyncset.done $0x0  }
0x4f: {  	[sflag:s13] =	ssyncadd.s32 $0xFFFFFFB0  }
0x50: {  	v2 =	vld [tilespmem:$0x164C0]  }
0x51: {  	v3 =	vld [tilespmem:$0x164B0]  }
0x52: {  	v4 =	vld [tilespmem:$0x164A0]  }
0x53: {  	v5 =	vld [tilespmem:$0x16490]  }
0x54: {  	v6 =	vld [tilespmem:$0x16480]  }
0x55: {  	v2 =	vsub.s32 v2, v0  }
.Ltmp1:
0x56: {  	v3 =	vsub.s32 v3, v0;
	v2 =	vmin.u32 v2, $0x1388;
	(pc) =	sbr.rel @p1 .LBB2_4-.Ltmp1, $4  }
0x57: {  	v4 =	vsub.s32 v4, v0;
	v3 =	vmin.u32 v3, $0x1388;
	[tilespmem:$0x164C0] =	vst v2  }
0x58: {  	v2 =	vsub.s32 v5, v0;
	v4 =	vmin.u32 v4, $0x1388;
	[tilespmem:$0x164B0] =	vst v3  }
0x59: {  	v3 =	vsub.s32 v6, v0;
	v5 =	vmin.u32 v2, $0x1388;
	[tilespmem:$0x164A0] =	vst v4  }
0x5a: {  	v2 =	vmin.u32 v3, $0x1388;
	[tilespmem:$0x16490] =	vst v5  }
0x5b: {  	[tilespmem:$0x16480] =	vst v2  }
0x5c: {  	[spmem:s2] =	stream.indirect.scatter.add.f32 [tilespmem:s12], [sflag:$0x1], $0x80, s14, s15, $0xb8;
	[tilespmem:$0x16500] =	vst v63  }
0x5d: {  	_ =	swait.ge [sflag:s13], $0x2800  }
0x5e: {  	[sflag:s13] =	ssyncset.done $0x0  }
0x5f: {  	[sflag:s13] =	ssyncadd.s32 $0xFFFFD800  }
0x60: {  	s17 =	sshrl.u32 @p0 s5, $0x3;
	s18 =	simm.s32 @p0 $0x1FC1;
	[bflag:$0x0] =	sbarrier.arrive $0xFFFF  }
0x61: {  	[hbm:s8], [sflag:s18] =	dma.local @p0 [spmem:s17], $0x1400  }
0x62: {  	s17 =	simm.s32 @p0 $0x1  }
0x63: {  	s16 =	sadd.s32 $0x1, s16;
	_ =	swait.ge @p0 [sflag:s17], $0x1400  }
0x64: {  	p1 =	sne.s32 s16, s9;
	s18 =	sshll.u32 @!p0 s1, $0x6;
	[sflag:s17] =	ssyncset.done @p0 $0x0  }
0x65: {  	[sflag:s17] =	ssyncadd.s32 @p0 $0xFFFFEC00;
	s17 =	sor.u32 @!p0 $0x1C01, s18;
	s18 =	sshrl.u32 @!p0 s4, $0x3  }
0x66: {  	[hbm:s7], [sflag:s17] =	dma.local @!p0 [spmem:s18], $0x1380  }
.Ltmp2:
0x67: {  	_ = 	snop;
	(pc) =	sbr.rel @p1 .LBB2_1-.Ltmp2, $4  }
0x68: {  	s17 =	simm.s32 @!p0 $0x1  }
0x69: {  	_ =	swait.ge @!p0 [sflag:s17], $0x1380  }
0x6a: {  	[sflag:s17] =	ssyncset.done @!p0 $0x0  }
0x6b: {  	[sflag:s17] =	ssyncadd.s32 @!p0 $0xFFFFEC80  }
0x6c: {  	_ =	sfence.sel $0x180000  }
0x6d: {  	[bflag:$0x0] =	sbarrier.arrive $0xFFFF  }
0x6e: {  	p0 =	sne.s32 s1, $0x0;
	_ =	strace $0x9000004A  }
0x6f: {  	s0 =	sadd.s32 @!p0 $0x100000, s0;
	[bflag:$0x2] =	sbarrier.arrive $0xFFFF  }
0x70: {  	[sflag:s0] =	ssyncadd.tile.s32 @!p0 $0x1;
	_ =	shalt  }
.Lfunc_end2:
_tile_overlayer_lowered:
.L_overlay_start_2:
0x71: {  	(tag) =	ssettag $0x2  }
0x72: {  	s0 =	rddreg [dreg:$0x0];
	s2 =	stileid.u32  }
0x73: {  	s1 =	rddreg [dreg:$0x1];
	p0 =	sne.s32 s2, $0x0  }
0x74: {  	s3 =	rddreg [dreg:$0x2];
	[bflag:$0x3] =	sbarrier.arrive $0xFFFF;
	s2 =	simm.s32 @!p0 $0x1C01  }
0x75: {  	[timem:s3], [sflag:s2] =	dma.local @!p0 [hbm:s0], s1  }
0x76: {  	s0 =	simm.s32 @!p0 $0x1  }
0x77: {  	_ =	swait.ge @!p0 [sflag:s0], s1  }
0x78: {  	s1 =	ssub.s32 @!p0 $0x0, s1;
	[sflag:s0] =	ssyncset.done @!p0 $0x0  }
0x79: {  	[sflag:s0] =	ssyncadd.s32 @!p0 s1  }
0x7a: {  	[bflag:$0x3] =	sbarrier.arrive $0xFFFF  }
0x7b: {  	_ =	shalt  }

// kernel: kernel.7.cloned.1.call-start
scs
__scs_entry_jumppad:
0x0: {  	(pc) =	sbr.rel $0x88, $3  }
0x1: {  	(tag) =	ssettag $0x0;
	lr =	simm.s32 $0x1  }
0x2: {  	[smem:$0x3F91] =	sst lr;
	_ =	strace $0xD0000000  }
0x3: {  	_ = 	snop  }
0x4: {  	_ = 	snop  }
0x5: {  	_ = 	snop  }
0x6: {  	_ = 	snop  }
0x7: {  	_ = 	snop  }
__scs_overlays_trampoline_lowered:
0x8: {  	[smem:$0x3FA0] =	sst s0  }
0x9: {  	[smem:$0x3FA1] =	sst s1  }
0xa: {  	[smem:$0x3FA2] =	sst s2  }
0xb: {  	[smem:$0x3FA3] =	sst s3  }
0xc: {  	[smem:$0x3FA4] =	sst s4  }
0xd: {  	[smem:$0x3FA5] =	sst s5  }
0xe: {  	[smem:$0x3FA6] =	sst s6  }
0xf: {  	[smem:$0x3FA7] =	sst s7  }
0x10: {  	[smem:$0x3FA8] =	sst s8  }
0x11: {  	[smem:$0x3FA9] =	sst s9;
	s0 =	simm.s32 @!p0 $0x0  }
0x12: {  	s1 =	sld [smem:$0x3F8F];
	s0 =	simm.s32 @p0 $0x1  }
0x13: {  	[smem:$0x3FAA] =	sst s0;
	s0 =	simm.s32 @!p1 $0x0  }
0x14: {  	s2 =	sld [smem:$0x3F8E];
	s0 =	simm.s32 @p1 $0x1  }
0x15: {  	[smem:$0x3FAB] =	sst s0;
	s0 =	simm.s32 @!p2 $0x0  }
0x16: {  	s3 =	sld [smem:$0x3FDB];
	s0 =	simm.s32 @p2 $0x1  }
0x17: {  	s4 =	simm.s32 $0x1BF5;
	[smem:$0x3FAD] =	sst s0  }
0x18: {  	s0 =	sld [smem:$0x3F90];
	_ =	swait.ge [sflag:s4], $0x0  }
0x19: {  	s7 =	sld [smem:$0x3F91]  }
0x1a: {  	s8 =	sadd.s32 $0xFFFFE003, lr  }
0x1b: {  	s9 =	sadd.s32 $0xFFFFFEF7, lr;
	s5 =	simm.s32 $0xFFFFFFFF;
	p2 =	slt.u32 s8, $0xFFFFF086  }
0x1c: {  	p1 =	slt.u32 s9, $0xF7A;
	s5 =	simm.s32 @!p2 $0x0  }
0x1d: {  	s5 =	simm.s32 @p1 $0x1;
	p0 =	seq.s32 s7, s2  }
0x1e: {  	s7 =	smul.u32 @!p0 $0xF7A, s2;
	p2 =	seq.s32 @!p0 s5, $0x0  }
0x1f: {  	s9 =	smul.u32 $0xF7A, s1;
	s8 =	simm.s32 @!p0 $0x1BF5;
	p2 =	por !p2, p0  }
0x20: {  	[sflag:s8] =	ssyncset.s32 @!p0 $0xFFFFF086;
	s6 =	sadd.s32 @!p0 s3, s7;
	s7 =	simm.s32 @!p0 $0x108  }
0x21: {  	s3 =	sadd.s32 s3, s9;
	s6 =	sadd.s32 @!p0 $0x88, s6;
	s7 =	simm.s32 @p2 $0x1082  }
0x22: {  	[simem:s7], [sflag:s8] =	dma.local @!p0 [hbm:s6], $0xF7A  }
0x23: {  	s9 =	sor.u32 $0xD0000000, s2;
	s6 =	simm.s32 $0x108;
	_ =	swait.ge @!p0 [sflag:s8], $0x0  }
0x24: {  	s3 =	sadd.s32 $0x88, s3;
	s6 =	simm.s32 @!p1 $0x1082;
	[sflag:s4] =	ssyncset.s32 $0xFFFFF086  }
0x25: {  	[simem:s6], [sflag:s4] =	dma.local [hbm:s3], $0xF7A  }
0x26: {  	[smem:$0x3F91] =	sst s1;
	(tag) =	ssettag s2;
	_ =	strace s9  }
0x27: {  	s1 =	sld [smem:$0x3FA1]  }
0x28: {  	s2 =	sld [smem:$0x3FA2]  }
0x29: {  	s4 =	sld [smem:$0x3FA4]  }
0x2a: {  	p0 =	seq.s32 s5, $0x0;
	s5 =	sld [smem:$0x3FA5]  }
0x2b: {  	s6 =	sld [smem:$0x3FA6]  }
0x2c: {  	s7 =	sld [smem:$0x3FA7]  }
0x2d: {  	s3 =	simm.s32 $0x108;
	s8 =	sld [smem:$0x3FA8]  }
0x2e: {  	s3 =	simm.s32 @!p0 $0x1082;
	s9 =	sld [smem:$0x3FA9]  }
0x2f: {  	lr =	sadd.s32 s0, s3;
	s0 =	sld [smem:$0x3FA0]  }
0x30: {  	s3 =	sld [smem:$0x3FA3]  }
0x31: {  	[smem:$0x3FAC] =	sst s10  }
0x32: {  	s10 =	sld [smem:$0x3FAA];
	_ =	sdelay $0x3  }
0x33: {  	p0 =	seq.s32 s10, $0x1;
	s10 =	sld [smem:$0x3FAC];
	_ =	sdelay $0x3  }
0x34: {  	[smem:$0x3FAC] =	sst s10  }
0x35: {  	s10 =	sld [smem:$0x3FAB];
	_ =	sdelay $0x3  }
0x36: {  	p1 =	seq.s32 s10, $0x1;
	s10 =	sld [smem:$0x3FAC];
	_ =	sdelay $0x3  }
0x37: {  	[smem:$0x3FAC] =	sst s10  }
0x38: {  	s10 =	sld [smem:$0x3FAD]  }
0x39: {  	_ = 	snop;
	(pc) =	sbr.ind lr, $3  }
0x3a: {  	_ = 	snop  }
0x3b: {  	_ = 	snop  }
0x3c: {  	p2 =	seq.s32 s10, $0x1;
	s10 =	sld [smem:$0x3FAC]  }
0x3d: {  	_ =	shalt  }
0x3e: {  	_ =	shalt  }
0x3f: {  	_ =	shalt  }
0x40: {  	_ =	shalt  }
0x41: {  	_ =	shalt  }
0x42: {  	_ =	shalt  }
0x43: {  	_ =	shalt  }
0x44: {  	_ =	shalt  }
0x45: {  	_ =	shalt  }
0x46: {  	_ =	shalt  }
0x47: {  	_ =	shalt  }
0x48: {  	_ =	shalt  }
0x49: {  	_ =	shalt  }
0x4a: {  	_ =	shalt  }
0x4b: {  	_ =	shalt  }
0x4c: {  	_ =	shalt  }
0x4d: {  	_ =	shalt  }
0x4e: {  	_ =	shalt  }
0x4f: {  	_ =	shalt  }
0x50: {  	_ =	shalt  }
0x51: {  	_ =	shalt  }
0x52: {  	_ =	shalt  }
0x53: {  	_ =	shalt  }
0x54: {  	_ =	shalt  }
0x55: {  	_ =	shalt  }
0x56: {  	_ =	shalt  }
0x57: {  	_ =	shalt  }
0x58: {  	_ =	shalt  }
0x59: {  	_ =	shalt  }
0x5a: {  	_ =	shalt  }
0x5b: {  	_ =	shalt  }
0x5c: {  	_ =	shalt  }
0x5d: {  	_ =	shalt  }
0x5e: {  	_ =	shalt  }
0x5f: {  	_ =	shalt  }
0x60: {  	_ =	shalt  }
0x61: {  	_ =	shalt  }
0x62: {  	_ =	shalt  }
0x63: {  	_ =	shalt  }
0x64: {  	_ =	shalt  }
0x65: {  	_ =	shalt  }
0x66: {  	_ =	shalt  }
0x67: {  	_ =	shalt  }
0x68: {  	_ =	shalt  }
0x69: {  	_ =	shalt  }
0x6a: {  	_ =	shalt  }
0x6b: {  	_ =	shalt  }
0x6c: {  	_ =	shalt  }
0x6d: {  	_ =	shalt  }
0x6e: {  	_ =	shalt  }
0x6f: {  	_ =	shalt  }
0x70: {  	_ =	shalt  }
0x71: {  	_ =	shalt  }
0x72: {  	_ =	shalt  }
0x73: {  	_ =	shalt  }
0x74: {  	_ =	shalt  }
0x75: {  	_ =	shalt  }
0x76: {  	_ =	shalt  }
0x77: {  	_ =	shalt  }
0x78: {  	_ =	shalt  }
0x79: {  	_ =	shalt  }
0x7a: {  	_ =	shalt  }
0x7b: {  	_ =	shalt  }
0x7c: {  	_ =	shalt  }
0x7d: {  	_ =	shalt  }
0x7e: {  	_ =	shalt  }
0x7f: {  	_ =	shalt  }
0x80: {  	_ =	shalt  }
0x81: {  	_ =	shalt  }
0x82: {  	_ =	shalt  }
0x83: {  	_ =	shalt  }
0x84: {  	_ =	shalt  }
0x85: {  	_ =	shalt  }
0x86: {  	_ =	shalt  }
0x87: {  	_ =	shalt  }
.Lfunc_end0:
.L_simem_size_0:
called_computation_lowered:
.L_overlay_start_0:
0x88: {  	s2 =	sld [smem:$0x3FD9]  }
0x89: {  	s3 =	sld [smem:$0x3FFE];
	_ =	sdelay $0x1  }
0x8a: {  	s1 =	srdreg.scid  }
0x8b: {  	s0 =	sand.u32 $0x1, s1  }
0x8c: {  	s17 =	sshll.u32 s0, $0xA;
	s2 =	sadd.s32 s3, s2  }
0x8d: {  	s2 =	sadd.s32 s2, s17  }
0x8e: {  	[smem:$0x3FB8] =	sst s2  }
0x8f: {  	_ = 	snop  }
0x90: {  	s2 =	sld [smem:$0x3FD0];
	(tm) =	ssettm $0x1  }
0x91: {  	s18 =	sld [smem:$0x3FFB];
	_ =	sdelay $0x3  }
0x92: {  	_ =	strace s18  }
0x93: {  	s3 =	sld [smem:$0x3FFC];
	_ =	sdelay $0x3  }
0x94: {  	_ =	strace s3  }
0x95: {  	s3 =	sld [smem:$0x3FFD];
	_ =	sdelay $0x3  }
0x96: {  	_ =	strace s3  }
0x97: {  	_ =	strace $0x8FFFFFFF  }
0x98: {  	s19 =	sld [smem:$0x3FDB];
	_ =	sdelay $0x1  }
0x99: {  	s4 =	simm.s32 $_scs_section_size  }
0x9a: {  	s5 =	simm.s32 $_size__tile_overlayer_lowered;
	s6 =	simm.s32 $_tile_overlayer_lowered  }
0x9b: {  	s22 =	simm.s32 $0x1BFF;
	s21 =	sshll.u32 s6, $0x1;
	s3 =	sadd.s32 s4, s19  }
0x9c: {  	s7 =	simm.s32 $0x0;
	s20 =	sshll.u32 s5, $0x1;
	s5 =	sadd.s32 s21, s3  }
0x9d: {  	[timem:s7], [sflag:s22] =	dma.local [hbm:s5], s20  }
0x9e: {  	_ =	swait.ge [sflag:s22], s20  }
0x9f: {  	s4 =	ssub.s32 $0x0, s20;
	[sflag:s22] =	ssyncset.done $0x0  }
0xa0: {  	[sflag:s22] =	ssyncadd.s32 s4;
	_ =	sdelay $0x1  }
0xa1: {  	s23 =	simm.s32 $0x1B8B  }
0xa2: {  	_ =	swait.ge [sflag:s23], $0x1  }
0xa3: {  	[sflag:s23] =	ssyncset.done $0x0  }
0xa4: {  	s25 =	simm.s32 $0x1B8E;
	s24 =	sld [smem:$0x3FFE];
	[sflag:s23] =	ssyncadd.s32 $0xFFFFFFFF  }
0xa5: {  	s26 =	simm.s32 $execute0_lowered;
	[smem:$0x3FD2] =	sst s25  }
0xa6: {  	s5 =	sshll.u32 s26, $0x1;
	_ =	strace $0x80000046;
	[dreg:$0x1] =	wrdreg $0xFFFFFFFF  }
0xa7: {  	s28 =	simm.s32 $_size_execute0_lowered;
	s3 =	sadd.s32 s3, s5;
	[dreg:$0x0] =	wrdreg $0x0  }
0xa8: {  	s5 =	sshll.u32 s28, $0x1;
	[dreg:$0x2] =	wrdreg s3  }
0xa9: {  	[dreg:$0x3] =	wrdreg s5  }
0xaa: {  	[dreg:$0x4] =	wrdreg $0xC0  }
0xab: {  	_ =	task [dreg:s7], $0x5FFFF  }
0xac: {  	[dreg:$0x1] =	wrdreg $0xFFFFFFFF  }
0xad: {  	[dreg:$0x0] =	wrdreg $0x60  }
0xae: {  	[dreg:$0x2] =	wrdreg s2  }
0xaf: {  	[dreg:$0x3] =	wrdreg s24  }
0xb0: {  	[dreg:$0x4] =	wrdreg $0x9  }
0xb1: {  	_ =	task.clear_ibuf [dreg:s7], $0x5FFFF;
	_ =	strace $0x90000046  }
0xb2: {  	s29 =	simm.s32 $0x9;
	_ =	strace $0x80000048  }
0xb3: {  	_ =	swait.ge [sflag:s29], $0x1  }
0xb4: {  	[sflag:s29] =	ssyncadd.s32 $0xFFFFFFFF  }
0xb5: {  	_ =	strace $0x90000048  }
0xb6: {  	_ =	sfence  }
0xb7: {  	s30 =	sld [smem:$0x0];
	_ =	sdelay $0x2  }
0xb8: {  	s31 =	sshll.u32 s1, $0xD;
	s1 =	sshrl.u32 s1, $0x2  }
0xb9: {  	s3 =	sand.u32 $0x4000, s31;
	s1 =	sadd.s32 s1, s30  }
0xba: {  	s0 =	sor.u32 s3, s0;
	s1 =	sshll.u32 s1, $0x11  }
0xbb: {  	s0 =	sor.u32 s1, s0  }
0xbc: {  	s0 =	sadd.s32 $0x8F2B, s0  }
0xbd: {  	[sflag:s0] =	ssyncadd.remote.s32 $0x1  }
0xbe: {  	_ =	sfence.sel $0xFFFF  }
0xbf: {  	[dreg:$0x0] =	wrdreg $0xFFFFFFFF;
	(pc) =	sbr.abs _section_cstart, $3  }
0xc0: {  	[dreg:$0x1] =	wrdreg $0xFFFFFFFF  }
0xc1: {  	_ =	task.clear_ibuf [dreg:s7], $0x2FFFF;
	_ =	strace $0x9FFFFFFF  }
0xc2: {  	(tm) =	ssettm $0x7FFFFFFF  }
0xc3: {  	_ =	shalt  }
tec
execute0_lowered:
.L_overlay_start_1:
0x0: {  	(tag) =	ssettag $0x1  }
0x1: {  	s1 =	srdreg.scid;
	s2 =	rddreg [dreg:$0x0]  }
0x2: {  	s0 =	stileid.u32;
	s6 =	rddreg [dreg:$0x1];
	s3 =	simm.s32 $0x0  }
0x3: {  	s13 =	simm.s32 $0x7F00;
	s14 =	simm.s32 $0x8700;
	s15 =	simm.s32 $0x8F00  }
0x4: {  	s16 =	simm.s32 $0x9700;
	s17 =	simm.s32 $0x9F00;
	s18 =	simm.s32 $0xA700  }
0x5: {  	s19 =	simm.s32 $0xAF00;
	s20 =	simm.s32 $0xB700;
	s21 =	simm.s32 $0xBF00  }
0x6: {  	s22 =	simm.s32 $0x1;
	s23 =	simm.s32 $0x50;
	s24 =	simm.s32 $0x4F00  }
0x7: {  	s25 =	simm.s32 $0x0;
	s5 =	sand.u32 $0x1, s1;
	s8 =	smul.u32 $0x4E200, s0  }
0x8: {  	s29 =	sshll.u32 s0, $0x1;
	s1 =	rddreg [dreg:$0x2];
	s9 =	smul.u32 $0x9C400, s0  }
0x9: {  	[smem:$0x7FF] =	sst s3;
	s4 =	sor.u32 s5, s29;
	s11 =	smul.u32 $0x4E200, s5  }
0xa: {  	_ =	strace $0x80000047;
	s10 =	ssub.s32 $0x2, s5;
	s12 =	smul.u32 $0x27100, s5  }
0xb: {  	s4 =	smul.u32 $0x2710, s4;
	s9 =	sadd.s32 s9, s6;
	s30 =	sshrl.u32 s10, $0x1  }
0xc: {  	s8 =	sadd.s32 s8, s6;
	s10 =	ssub.s32 s10, s30;
	s9 =	sadd.s32 s11, s9  }
0xd: {  	s31 =	sadd.s32 s12, s8;
	s11 =	simm.s32 $0x2780;
	s7 =	sshrl.u32 s4, $0x3  }
0xe: {  	v2 =	vlaneseq.u32;
	s12 =	simm.s32 $0x7700;
	s4 =	sadd.s32 $0x17A00, s6;
	s7 =	sadd.s32 s7, s6  }
0xf: {  	vm0 =	vmmov $0xffff;
	v1 =	vshrl.u32 v2, $0x3;
	s8 =	sadd.s32 $0x547C00, s9;
	s9 =	sadd.s32 $0x65C00, s31;
	s5 =	sadd.s32 $0x3E00, s7  }
0x10: {  	v0 =	vand.u32 $0x7, v2;
	v2 =	vor.u32 $0x8, v2;
	v1 =	vmul.u32 $0x8, v1;
	s6 =	sadd.s32 $0xDC00, s7;
	s7 =	smax.u32 s10, $0x1;
	s10 =	simm.s32 $0x2  }
.LBB2_1:
0x11: {  	[tilespmem:s3], [sflag:$0x2] =	stream.linear.gather [hbm4b:s5+s3], $0x2710, $0x38;
	[tilespmem:$0xC700] =	vst v63  }
0x12: {  	_ =	swait.ge [sflag:s10], $0x2710  }
0x13: {  	[sflag:s10] =	ssyncset.done $0x0  }
0x14: {  	[sflag:s10] =	ssyncadd.s32 $0xFFFFD8F0  }
0x15: {  	[tilespmem:s11], [sflag:$0x2] =	stream.linear.gather [hbm4b:s6+s3], $0x2710, $0x38;
	[tilespmem:$0xC700] =	vst v63  }
0x16: {  	_ =	swait.ge [sflag:s10], $0x2710  }
0x17: {  	s26 =	smov.u32 s9;
	[sflag:s10] =	ssyncset.done $0x0  }
0x18: {  	s28 =	smov.u32 s8;
	s29 =	simm.s32 $0x0;
	[sflag:s10] =	ssyncadd.s32 $0xFFFFD8F0  }
.LBB2_2:
0x19: {  	s30 =	sshra.s32 s29, $0x2  }
0x1a: {  	v3 =	vld [tilespmem:s30+$0x0];
	_ =	sdelay $0x4  }
0x1b: {  	v4 =	vshll.u32 v3, $0x1  }
0x1c: {  	v3 =	vand.u32 $0x7, v3;
	v4 =	vand.u32 $0xFFFFFFF0, v4  }
0x1d: {  	v3 =	vor.u32 v3, v4  }
0x1e: {  	v4 =	vperm.xlane v3, v0;
	_ =	sdelay $0x1  }
0x1f: {  	v3 =	vperm.xlane v3, v2;
	v4 =	vadd.s32 v1, v4;
	_ =	sdelay $0x1  }
0x20: {  	v3 =	vadd.s32 v1, v3;
	_ =	sdelay $0x2  }
0x21: {  	[tilespmem:s12], [sflag:$0x1] =	stream.indirect_vreg.gather [hbm4b:s4+s3], $0x80, v4, vm0, $0xb8;
	[tilespmem:$0xC700] =	vst v63  }
0x22: {  	_ = 	snop  }
0x23: {  	[tilespmem:s13], [sflag:$0x1] =	stream.indirect_vreg.gather [hbm4b:s4+s3], $0x80, v3, vm0, $0xb8;
	[tilespmem:$0xC700] =	vst v63  }
0x24: {  	v3 =	vld [tilespmem:s30+$0x10];
	_ =	sdelay $0x4  }
0x25: {  	v60 =	vshll.u32 v3, $0x1  }
0x26: {  	v3 =	vand.u32 $0x7, v3;
	v4 =	vand.u32 $0xFFFFFFF0, v60  }
0x27: {  	v3 =	vor.u32 v3, v4  }
0x28: {  	v4 =	vperm.xlane v3, v0;
	_ =	sdelay $0x1  }
0x29: {  	v3 =	vperm.xlane v3, v2;
	v4 =	vadd.s32 v1, v4;
	_ =	sdelay $0x1  }
0x2a: {  	v3 =	vadd.s32 v1, v3;
	_ =	sdelay $0x2  }
0x2b: {  	[tilespmem:s14], [sflag:$0x1] =	stream.indirect_vreg.gather [hbm4b:s4+s3], $0x80, v4, vm0, $0xb8;
	[tilespmem:$0xC700] =	vst v63  }
0x2c: {  	_ = 	snop  }
0x2d: {  	[tilespmem:s15], [sflag:$0x1] =	stream.indirect_vreg.gather [hbm4b:s4+s3], $0x80, v3, vm0, $0xb8;
	[tilespmem:$0xC700] =	vst v63  }
0x2e: {  	v3 =	vld [tilespmem:s30+$0x20];
	_ =	sdelay $0x4  }
0x2f: {  	v61 =	vshll.u32 v3, $0x1  }
0x30: {  	v3 =	vand.u32 $0x7, v3;
	v4 =	vand.u32 $0xFFFFFFF0, v61  }
0x31: {  	v3 =	vor.u32 v3, v4  }
0x32: {  	v4 =	vperm.xlane v3, v0;
	_ =	sdelay $0x1  }
0x33: {  	v3 =	vperm.xlane v3, v2;
	v4 =	vadd.s32 v1, v4;
	_ =	sdelay $0x1  }
0x34: {  	v3 =	vadd.s32 v1, v3;
	_ =	sdelay $0x2  }
0x35: {  	[tilespmem:s16], [sflag:$0x1] =	stream.indirect_vreg.gather [hbm4b:s4+s3], $0x80, v4, vm0, $0xb8;
	[tilespmem:$0xC700] =	vst v63  }
0x36: {  	_ = 	snop  }
0x37: {  	[tilespmem:s17], [sflag:$0x1] =	stream.indirect_vreg.gather [hbm4b:s4+s3], $0x80, v3, vm0, $0xb8;
	[tilespmem:$0xC700] =	vst v63  }
0x38: {  	v3 =	vld [tilespmem:s30+$0x30];
	_ =	sdelay $0x4  }
0x39: {  	v62 =	vshll.u32 v3, $0x1  }
0x3a: {  	v3 =	vand.u32 $0x7, v3;
	v4 =	vand.u32 $0xFFFFFFF0, v62  }
0x3b: {  	v3 =	vor.u32 v3, v4  }
0x3c: {  	v4 =	vperm.xlane v3, v0;
	_ =	sdelay $0x1  }
0x3d: {  	v3 =	vperm.xlane v3, v2;
	v4 =	vadd.s32 v1, v4;
	_ =	sdelay $0x1  }
0x3e: {  	v3 =	vadd.s32 v1, v3;
	_ =	sdelay $0x2  }
0x3f: {  	[tilespmem:s18], [sflag:$0x1] =	stream.indirect_vreg.gather [hbm4b:s4+s3], $0x80, v4, vm0, $0xb8;
	[tilespmem:$0xC700] =	vst v63  }
0x40: {  	_ = 	snop  }
0x41: {  	[tilespmem:s19], [sflag:$0x1] =	stream.indirect_vreg.gather [hbm4b:s4+s3], $0x80, v3, vm0, $0xb8;
	[tilespmem:$0xC700] =	vst v63  }
0x42: {  	v3 =	vld [tilespmem:s30+$0x40];
	_ =	sdelay $0x4  }
0x43: {  	v63 =	vshll.u32 v3, $0x1  }
0x44: {  	v3 =	vand.u32 $0x7, v3;
	v4 =	vand.u32 $0xFFFFFFF0, v63  }
0x45: {  	v3 =	vor.u32 v3, v4  }
0x46: {  	v4 =	vperm.xlane v3, v0;
	_ =	sdelay $0x1  }
0x47: {  	v3 =	vperm.xlane v3, v2;
	v4 =	vadd.s32 v1, v4;
	_ =	sdelay $0x1  }
0x48: {  	v3 =	vadd.s32 v1, v3;
	_ =	sdelay $0x2  }
0x49: {  	[tilespmem:s20], [sflag:$0x1] =	stream.indirect_vreg.gather [hbm4b:s4+s3], $0x80, v4, vm0, $0xb8;
	[tilespmem:$0xC700] =	vst v63  }
0x4a: {  	_ = 	snop  }
0x4b: {  	[tilespmem:s21], [sflag:$0x1] =	stream.indirect_vreg.gather [hbm4b:s4+s3], $0x80, v3, vm0, $0xb8;
	[tilespmem:$0xC700] =	vst v63  }
0x4c: {  	_ =	swait.ge [sflag:s22], $0x5000  }
0x4d: {  	[sflag:s22] =	ssyncset.done $0x0  }
0x4e: {  	s30 =	sadd.s32 $0x2780, s30;
	[sflag:s22] =	ssyncadd.s32 $0xFFFFB000  }
0x4f: {  	[tilespmem:s24], [sflag:$0x1] =	stream.indirect.gather [hbm4b:s2+s23], $0x80, s30, s23, $0xb8;
	[tilespmem:$0xC700] =	vst v63  }
0x50: {  	_ =	swait.ge [sflag:s22], $0x2800  }
0x51: {  	[sflag:s22] =	ssyncset.done $0x0  }
0x52: {  	[sflag:s22] =	ssyncadd.s32 $0xFFFFD800  }
0x53: {  	[hbm4b:s28+s3] =	stream.linear.scatter [tilespmem:s12], [sflag:$0x2], $0x5000, $0x38;
	[tilespmem:$0xC700] =	vst v63  }
0x54: {  	_ =	swait.ge [sflag:s10], $0x5000  }
0x55: {  	p0 =	sne.s32 s29, $0x9B00;
	[sflag:s10] =	ssyncset.done $0x0  }
.Ltmp0:
0x56: {  	[sflag:s10] =	ssyncadd.s32 $0xFFFFB000;
	(pc) =	sbr.rel @p0 .LBB2_2-.Ltmp0, $4  }
0x57: {  	[hbm4b:s26+s3] =	stream.linear.scatter [tilespmem:s24], [sflag:$0x2], $0x2800, $0x38;
	[tilespmem:$0xC700] =	vst v63  }
0x58: {  	_ =	swait.ge [sflag:s10], $0x2800  }
0x59: {  	s29 =	sadd.s32 $0x140, s29;
	[sflag:s10] =	ssyncset.done $0x0  }
0x5a: {  	s28 =	sadd.s32 $0xA00, s28;
	s26 =	sadd.s32 $0x500, s26;
	[sflag:s10] =	ssyncadd.s32 $0xFFFFD800  }
0x5b: {  	s25 =	sadd.s32 $0x1, s25  }
0x5c: {  	p0 =	sne.s32 s25, s7  }
.Ltmp1:
0x5d: {  	_ = 	snop;
	(pc) =	sbr.rel @p0 .LBB2_1-.Ltmp1, $1  }
0x5e: {  	_ =	sdelay $0x3  }
0x5f: {  	_ =	sfence.sel $0x180000  }
0x60: {  	[bflag:$0x0] =	sbarrier.arrive $0xFFFF  }
0x61: {  	p0 =	sne.s32 s0, $0x0;
	_ =	strace $0x90000047  }
0x62: {  	s0 =	sadd.s32 @!p0 $0x100000, s1;
	[bflag:$0x2] =	sbarrier.arrive $0xFFFF  }
0x63: {  	[sflag:s0] =	ssyncadd.tile.s32 @!p0 $0x1;
	_ =	shalt  }
.Lfunc_end2:
_tile_overlayer_lowered:
.L_overlay_start_2:
0x64: {  	(tag) =	ssettag $0x2  }
0x65: {  	s0 =	rddreg [dreg:$0x0];
	s2 =	stileid.u32  }
0x66: {  	s1 =	rddreg [dreg:$0x1];
	p0 =	sne.s32 s2, $0x0  }
0x67: {  	s3 =	rddreg [dreg:$0x2];
	[bflag:$0x3] =	sbarrier.arrive $0xFFFF;
	s2 =	simm.s32 @!p0 $0x1C02  }
0x68: {  	[timem:s3], [sflag:s2] =	dma.local @!p0 [hbm:s0], s1  }
0x69: {  	s0 =	simm.s32 @!p0 $0x2  }
0x6a: {  	_ =	swait.ge @!p0 [sflag:s0], s1  }
0x6b: {  	s1 =	ssub.s32 @!p0 $0x0, s1;
	[sflag:s0] =	ssyncset.done @!p0 $0x0  }
0x6c: {  	[sflag:s0] =	ssyncadd.s32 @!p0 s1  }
0x6d: {  	[bflag:$0x3] =	sbarrier.arrive $0xFFFF  }
0x6e: {  	_ =	shalt  }

</sc_bundles>
